<compile_context>
chip_gen: v7x
topology: tpu7x:2x2x1
jax: 0.10.2.dev20260603
libtpu: 0.0.44.dev20260713+nightly
codegen_flags: <defaults>
</compile_context>

<pallas_src>
import functools

import jax
import jax.numpy as jnp
from jax.experimental import pallas as pl
from jax.experimental.pallas import tpu as pltpu
from jax.experimental.pallas import tpu_sc as plsc

_B = 8
_D = 32
_HW = 1024
_NUM_E = 8192
_BETA = 0.25
_CHUNK = 256
_N_CHUNKS = _NUM_E // _CHUNK
_WIN = 2048
_N_WIN = _NUM_E // _WIN
_I32_MAX = 2147483647


def _argmin_body(z_ref, zsq_ref, e2_ref, esq_ref, idx_ref, row_ref):
    zb = z_ref[0].astype(jnp.bfloat16)
    z_sq = zsq_ref[0]
    row = jax.lax.broadcasted_iota(jnp.int32, (_CHUNK, _HW), 0)
    acc_v = jnp.full((1, _HW), jnp.inf, jnp.float32)
    acc_i = jnp.zeros((1, _HW), jnp.int32)
    for w in range(_N_WIN):
        w_min = None
        w_idx = None
        for cc in range(_WIN // _CHUNK):
            c = w * (_WIN // _CHUNK) + cc
            e2_c = e2_ref[c * _CHUNK:(c + 1) * _CHUNK, :]
            e_sq = esq_ref[c * _CHUNK:(c + 1) * _CHUNK, :]
            m2 = jax.lax.dot_general(
                e2_c, zb, (((1,), (0,)), ((), ())),
                preferred_element_type=jnp.float32)
            d = (z_sq + e_sq) - m2
            c_min = jnp.min(d, axis=0, keepdims=True)
            cand = jnp.where(d == c_min, row + c * _CHUNK, _I32_MAX)
            c_idx = jnp.min(cand, axis=0, keepdims=True)
            if cc == 0:
                w_min, w_idx = c_min, c_idx
            else:
                t = c_min < w_min
                w_min = jnp.where(t, c_min, w_min)
                w_idx = jnp.where(t, c_idx, w_idx)
        take = (w_min < acc_v) | ((w_min == acc_v) & (w_idx < acc_i))
        w_min_b = w_min.astype(jnp.bfloat16).astype(jnp.float32)
        acc_v = jnp.where(take, w_min_b, acc_v)
        acc_i = jnp.where(take, w_idx, acc_i)
    idx_ref[0] = acc_i
    row_ref[0] = acc_i >> 2


def _sc_gather(e_packed, row_flat):
    idx2 = row_flat.reshape(1, _B * _HW)
    mesh = plsc.VectorSubcoreMesh(core_axis_name="c", subcore_axis_name="s")

    @functools.partial(
        pl.kernel,
        out_type=jax.ShapeDtypeStruct((_B * _HW, 128), jnp.float32),
        mesh=mesh)
    def k(e_hbm, i_hbm, o_hbm):
        def body(i_vmem, o_vmem):
            pltpu.sync_copy(e_hbm.at[i_vmem.at[0]], o_vmem)

        pltpu.emit_pipeline(
            body,
            grid=((_B * _HW) // 128,),
            in_specs=[pl.BlockSpec((1, 128), lambda i: (0, i))],
            out_specs=[pl.BlockSpec((128, 128), lambda i: (i, 0))],
            core_axis_name=("c", "s"),
            dimension_semantics=(pltpu.PARALLEL,),
        )(i_hbm, o_hbm)

    return k(e_packed, idx2)


def _finish_body(z_ref, q_ref, idx_ref, st_ref, ps_ref):
    z = z_ref[0]
    qt_full = q_ref[...].T
    rem = idx_ref[0] & 3
    qt = qt_full[0:_D, :]
    for k in range(1, 4):
        qt = jnp.where(rem == k, qt_full[k * _D:(k + 1) * _D, :], qt)
    st_ref[0] = z + (qt - z)
    diff = z - qt
    ps_ref[...] = jnp.sum(diff * diff).reshape(1, 1, 1)


def kernel(z_e, embedding):
    z2 = z_e.reshape(_B, _D, _HW)
    z_sq = jnp.sum(z_e * z_e, axis=1).reshape(_B, 1, _HW)
    e_sq = jnp.sum(embedding * embedding, axis=1).reshape(_NUM_E, 1)
    e2 = embedding + embedding
    idx3, row3 = pl.pallas_call(
        _argmin_body,
        grid=(_B,),
        in_specs=[
            pl.BlockSpec((1, _D, _HW), lambda b: (b, 0, 0)),
            pl.BlockSpec((1, 1, _HW), lambda b: (b, 0, 0)),
            pl.BlockSpec((_NUM_E, _D), lambda b: (0, 0)),
            pl.BlockSpec((_NUM_E, 1), lambda b: (0, 0)),
        ],
        out_specs=[
            pl.BlockSpec((1, 1, _HW), lambda b: (b, 0, 0)),
            pl.BlockSpec((1, 1, _HW), lambda b: (b, 0, 0)),
        ],
        out_shape=[
            jax.ShapeDtypeStruct((_B, 1, _HW), jnp.int32),
            jax.ShapeDtypeStruct((_B, 1, _HW), jnp.int32),
        ],
        compiler_params=pltpu.CompilerParams(
            dimension_semantics=("parallel",)),
    )(z2, z_sq, e2, e_sq)

    z_q_packed = _sc_gather(embedding.reshape(_NUM_E // 4, 4 * _D),
                            row3.reshape(-1))

    st, partials = pl.pallas_call(
        _finish_body,
        grid=(_B,),
        in_specs=[
            pl.BlockSpec((1, _D, _HW), lambda b: (b, 0, 0)),
            pl.BlockSpec((_HW, 4 * _D), lambda b: (b, 0)),
            pl.BlockSpec((1, 1, _HW), lambda b: (b, 0, 0)),
        ],
        out_specs=[
            pl.BlockSpec((1, _D, _HW), lambda b: (b, 0, 0)),
            pl.BlockSpec((1, 1, 1), lambda b: (b, 0, 0)),
        ],
        out_shape=[
            jax.ShapeDtypeStruct((_B, _D, _HW), jnp.float32),
            jax.ShapeDtypeStruct((_B, 1, 1), jnp.float32),
        ],
    )(z2, z_q_packed, idx3)

    mse = jnp.sum(partials) / (_B * _D * _HW)
    codebook_loss = mse
    commitment_scaled = _BETA * mse
    vq_loss = codebook_loss + commitment_scaled
    z_q_st = st.reshape(_B, _D, 32, 32)
    indices_map = idx3.reshape(_B, 32, 32)
    return (z_q_st, indices_map, vq_loss, codebook_loss, commitment_scaled)

# --- scband reference (transcript-rebuilt; emitter-appended) ---
"""Pipeline reference for scband-vector-quantizer-67087389163578 (READ-ONLY COPY).

The authoritative reference and input builder live on the scoring server;
editing this copy changes nothing except your own understanding.
"""

import jax, jax.numpy as jnp
import numpy as np

NUM_EMBEDDINGS = 8192
EMBEDDING_DIM = 32
BETA = 0.25


def setup_inputs(seed: int = 0) -> dict:
    key = jax.random.key(seed)
    k1, k2 = jax.random.split(key)
    z_e = jax.random.normal(k1, (8, 32, 32, 32), dtype=jnp.float32)
    embedding = jax.random.uniform(
        k2, (NUM_EMBEDDINGS, EMBEDDING_DIM),
        minval=-1.0 / NUM_EMBEDDINGS, maxval=1.0 / NUM_EMBEDDINGS,
        dtype=jnp.float32)
    return {"z_e": z_e, "embedding": embedding}


def reference(z_e, embedding):
    B = z_e.shape[0]
    D = z_e.shape[1]
    spatial = z_e.shape[2:]
    ndim = z_e.ndim
    perm = (0,) + tuple(range(2, ndim)) + (1,)
    z = jnp.transpose(z_e, perm)
    z_flat = z.reshape(-1, D)
    e = embedding
    z_sq = jnp.sum(z_flat ** 2, axis=1, keepdims=True)
    e_sq = jnp.sum(e ** 2, axis=1)
    distances = z_sq + e_sq[None, :] - 2.0 * (z_flat @ e.T)
    indices = jnp.argmin(distances, axis=1)
    # encodings @ e is mathematically a row-gather from the codebook
    z_q_flat = jnp.take(e, indices, axis=0)
    z_q = z_q_flat.reshape((B,) + tuple(spatial) + (D,))
    inv_perm = (0, ndim - 1) + tuple(range(1, ndim - 1))
    z_q = jnp.transpose(z_q, inv_perm)
    sg = jax.lax.stop_gradient
    codebook_loss = jnp.mean((sg(z_e) - z_q) ** 2)
    commitment_loss = jnp.mean((z_e - sg(z_q)) ** 2)
    vq_loss = codebook_loss + BETA * commitment_loss
    z_q_st = z_e + sg(z_q - z_e)
    indices_map = indices.reshape((B,) + tuple(spatial))
    return (z_q_st, indices_map, vq_loss, codebook_loss, BETA * commitment_loss)

if __name__ == "__main__":
    import jax
    _d = setup_inputs()
    print(jax.jit(kernel)(*tuple(_d.values())))

</pallas_src>

<mosaic_0001>
#map = affine_map<(d0, d1) -> (0, 0)>
module attributes {stable_mosaic.version = 14 : i64} {
  func.func @k(%arg0: i32, %arg1: i32, %arg2: memref<2048x128xf32, #tpu.memory_space<hbm>>, %arg3: memref<1x8192xi32, #tpu.memory_space<hbm>>, %arg4: memref<8192x128xf32, #tpu.memory_space<hbm>>) attributes {dimension_semantics = [#tpu.dimension_semantics<core_parallel>, #tpu.dimension_semantics<subcore_parallel>], iteration_bounds = array<i64: 2, 16>, scalar_prefetch = 0 : i64, scratch_operands = 0 : i64, tpu.core_type = #tpu.core_type<sc_vector_subcore>, window_params = [{transform_indices = #map}, {transform_indices = #map}, {transform_indices = #map}]} {
    %mul3A = arith.constant 1 : i32
    %mul3A_0 = arith.muli %arg1, %mul3A : i32
    %add3A = arith.constant 0 : i32
    %add3A_1 = arith.addi %add3A, %mul3A_0 : i32
    %mul3A_2 = arith.constant 16 : i32
    %mul3A_3 = arith.muli %arg0, %mul3A_2 : i32
    %add3A_4 = arith.addi %add3A_1, %mul3A_3 : i32
    %mul3A_5 = arith.constant 2 : i32
    %mul3A_6 = arith.muli %add3A_4, %mul3A_5 : i32
    "tpu.region"() ({
      %run_scoped3A = memref.alloca() : memref<2x1x128xi32, #tpu.memory_space<vmem>>
      %run_scoped3A_7 = tpu.sem_alloc : memref<2x!tpu.dma_semaphore, #tpu.memory_space<semaphore_mem>>
      %run_scoped3A_8 = memref.alloca() : memref<2x128x128xf32, #tpu.memory_space<vmem>>
      %run_scoped3A_9 = tpu.sem_alloc : memref<2x!tpu.dma_semaphore, #tpu.memory_space<semaphore_mem>>
      %add3A_10 = arith.constant 0 : i32
      %add3A_11 = arith.addi %add3A_10, %mul3A_6 : i32
      %select_n3A = arith.constant true
      %select_n3A_12 = arith.constant 0 : i32
      %select_n3A_13 = arith.constant -1 : i32
      %select_n3A_14 = arith.select %select_n3A, %select_n3A_13, %select_n3A_12 : i32
      %eq3A = arith.constant -1 : i32
      %eq3A_15 = arith.cmpi eq, %select_n3A_14, %eq3A : i32
      %select_n3A_16 = arith.constant 1 : i32
      %select_n3A_17 = arith.select %eq3A_15, %select_n3A_16, %select_n3A_14 : i32
      %add3A_18 = arith.addi %select_n3A_17, %mul3A_6 : i32
      %select_n3A_19 = arith.constant true
      %select_n3A_20 = arith.constant 0 : i32
      %select_n3A_21 = arith.constant 1 : i32
      %select_n3A_22 = arith.select %select_n3A_19, %select_n3A_21, %select_n3A_20 : i32
      %eq3A_23 = arith.constant 2 : i32
      %eq3A_24 = arith.cmpi eq, %select_n3A_22, %eq3A_23 : i32
      %select_n3A_25 = arith.constant 0 : i32
      %select_n3A_26 = arith.select %eq3A_24, %select_n3A_25, %select_n3A_22 : i32
      %add3A_27 = arith.addi %select_n3A_26, %mul3A_6 : i32
      %add3A_28 = arith.constant 1 : i32
      %add3A_29 = arith.addi %select_n3A_26, %add3A_28 : i32
      %select_n3A_30 = arith.constant true
      %select_n3A_31 = arith.select %select_n3A_30, %add3A_29, %select_n3A_26 : i32
      %eq3A_32 = arith.constant 2 : i32
      %eq3A_33 = arith.cmpi eq, %select_n3A_31, %eq3A_32 : i32
      %select_n3A_34 = arith.constant 0 : i32
      %select_n3A_35 = arith.select %eq3A_33, %select_n3A_34, %select_n3A_31 : i32
      %add3A_36 = arith.addi %select_n3A_35, %mul3A_6 : i32
      "tpu.trace_start"() <{level = 10 : i32, message = "ep_initialize_0"}> : () -> ()
      %rem3A = arith.constant 0 : i32
      %rem3A_37 = arith.constant 2 : i32
      %rem3A_38 = arith.remui %rem3A, %rem3A_37 : i32
      %mul3A_39 = arith.constant 128 : i32
      %mul3A_40 = arith.muli %mul3A_39, %add3A_11 : i32
      %dma_start3A = arith.constant 0 : i32
      %dma_start3A_41 = arith.constant 0 : i32
      %dma_start3A_42 = tpu.memref_slice %run_scoped3A[%rem3A_38, %dma_start3A, %dma_start3A_41] : memref<2x1x128xi32, #tpu.memory_space<vmem>> -> memref<1x1x128xi32, #tpu.memory_space<vmem>>
      %dma_start3A_43 = tpu.memref_squeeze %dma_start3A_42 : memref<1x1x128xi32, #tpu.memory_space<vmem>> -> memref<1x128xi32, #tpu.memory_space<vmem>>
      %dma_start3A_44 = arith.constant 0 : i32
      %dma_start3A_45 = tpu.memref_slice %arg3[%dma_start3A_44, %mul3A_40] : memref<1x8192xi32, #tpu.memory_space<hbm>> -> memref<1x128xi32, #tpu.memory_space<hbm>>
      %dma_start3A_46 = tpu.memref_slice %run_scoped3A_7[%rem3A_38] : memref<2x!tpu.dma_semaphore, #tpu.memory_space<semaphore_mem>> -> memref<1x!tpu.dma_semaphore, #tpu.memory_space<semaphore_mem>>
      %dma_start3A_47 = tpu.memref_squeeze %dma_start3A_46 : memref<1x!tpu.dma_semaphore, #tpu.memory_space<semaphore_mem>> -> memref<!tpu.dma_semaphore, #tpu.memory_space<semaphore_mem>>
      %dma_start3A_48 = arith.constant 0 : i32
      %dma_start3A_49 = arith.constant 0 : i32
      %dma_start3A_50 = tpu.memref_slice %run_scoped3A[%rem3A_38, %dma_start3A_48, %dma_start3A_49] : memref<2x1x128xi32, #tpu.memory_space<vmem>> -> memref<1x1x128xi32, #tpu.memory_space<vmem>>
      %dma_start3A_51 = tpu.memref_squeeze %dma_start3A_50 : memref<1x1x128xi32, #tpu.memory_space<vmem>> -> memref<1x128xi32, #tpu.memory_space<vmem>>
      %dma_start3A_52 = arith.constant 0 : i32
      %dma_start3A_53 = tpu.memref_slice %arg3[%dma_start3A_52, %mul3A_40] : memref<1x8192xi32, #tpu.memory_space<hbm>> -> memref<1x128xi32, #tpu.memory_space<hbm>>
      tpu.enqueue_dma source(%dma_start3A_53 : memref<1x128xi32, #tpu.memory_space<hbm>>) target(%dma_start3A_51 : memref<1x128xi32, #tpu.memory_space<vmem>>) target_semaphore(%dma_start3A_47 : memref<!tpu.dma_semaphore, #tpu.memory_space<semaphore_mem>>)
      %add3A_54 = arith.constant 0 : i32
      %add3A_55 = arith.constant 1 : i32
      %add3A_56 = arith.addi %add3A_54, %add3A_55 : i32
      %select_n3A_57 = arith.constant true
      %select_n3A_58 = arith.constant 0 : i32
      %select_n3A_59 = arith.select %select_n3A_57, %add3A_56, %select_n3A_58 : i32
      "tpu.trace_stop"() : () -> ()
      %scan3A = arith.constant 0 : i32
      %scan3A_60 = arith.constant 0 : i32
      %scan3A_61 = arith.constant 0 : i32
      %scan3A_62 = arith.constant 0 : i32
      %scan3A_63 = arith.constant 0 : i32
      %scan3A_64 = arith.constant 2 : i32
      %scan3A_65 = arith.addi %scan3A_63, %scan3A_64 : i32
      %scan3A_66 = arith.constant 1 : i32
      %scan3A_67:5 = scf.for %scan3A_121 = %scan3A_63 to %scan3A_65 step %scan3A_66 iter_args(%scan3A_122 = %select_n3A_59, %scan3A_123 = %scan3A, %scan3A_124 = %scan3A_60, %scan3A_125 = %scan3A_61, %scan3A_126 = %scan3A_62) -> (i32, i32, i32, i32, i32)  : i32 {
        %eq3A_127 = arith.constant 0 : i32
        %eq3A_128 = arith.cmpi eq, %scan3A_121, %eq3A_127 : i32
        %eq3A_129 = arith.constant 1 : i32
        %eq3A_130 = arith.cmpi eq, %scan3A_121, %eq3A_129 : i32
        %add3A_131 = arith.addi %scan3A_126, %mul3A_6 : i32
        %sub3A_132 = arith.constant 1 : i32
        %sub3A_133 = arith.subi %scan3A_126, %sub3A_132 : i32
        %select_n3A_134 = arith.constant true
        %select_n3A_135 = arith.select %select_n3A_134, %sub3A_133, %scan3A_126 : i32
        %eq3A_136 = arith.constant -1 : i32
        %eq3A_137 = arith.cmpi eq, %select_n3A_135, %eq3A_136 : i32
        %select_n3A_138 = arith.constant 1 : i32
        %select_n3A_139 = arith.select %eq3A_137, %select_n3A_138, %select_n3A_135 : i32
        %add3A_140 = arith.addi %select_n3A_139, %mul3A_6 : i32
        %add3A_141 = arith.constant 1 : i32
        %add3A_142 = arith.addi %scan3A_126, %add3A_141 : i32
        %select_n3A_143 = arith.constant true
        %select_n3A_144 = arith.select %select_n3A_143, %add3A_142, %scan3A_126 : i32
        %eq3A_145 = arith.constant 2 : i32
        %eq3A_146 = arith.cmpi eq, %select_n3A_144, %eq3A_145 : i32
        %select_n3A_147 = arith.constant 0 : i32
        %select_n3A_148 = arith.select %eq3A_146, %select_n3A_147, %select_n3A_144 : i32
        %add3A_149 = arith.addi %select_n3A_148, %mul3A_6 : i32
        %add3A_150 = arith.constant 1 : i32
        %add3A_151 = arith.addi %select_n3A_148, %add3A_150 : i32
        %select_n3A_152 = arith.constant true
        %select_n3A_153 = arith.select %select_n3A_152, %add3A_151, %select_n3A_148 : i32
        %eq3A_154 = arith.constant 2 : i32
        %eq3A_155 = arith.cmpi eq, %select_n3A_153, %eq3A_154 : i32
        %select_n3A_156 = arith.constant 0 : i32
        %select_n3A_157 = arith.select %eq3A_155, %select_n3A_156, %select_n3A_153 : i32
        %add3A_158 = arith.addi %select_n3A_157, %mul3A_6 : i32
        %ne3A = arith.cmpi ne, %add3A_131, %add3A_149 : i32
        %or3A = arith.constant false
        %or3A_159 = arith.ori %or3A, %ne3A : i1
        %ge3A = arith.constant 1 : i32
        %ge3A_160 = arith.cmpi sge, %scan3A_121, %ge3A : i32
        %not3A = arith.constant true
        %not3A_161 = arith.xori %ge3A_160, %not3A : i1
        %and3A = arith.andi %or3A_159, %not3A_161 : i1
        %convert_element_type3A = arith.extui %and3A : i1 to i32
        %cond3A = arith.constant 0 : i32
        %cond3A_162 = arith.cmpi ne, %convert_element_type3A, %cond3A : i32
        scf.if %cond3A_162 {
          "tpu.trace_start"() <{level = 10 : i32, message = "ep_copy_in"}> : () -> ()
          %rem3A_264 = arith.constant 2 : i32
          %rem3A_265 = arith.remui %scan3A_122, %rem3A_264 : i32
          %mul3A_266 = arith.constant 128 : i32
          %mul3A_267 = arith.muli %mul3A_266, %add3A_149 : i32
          %dma_start3A_268 = arith.constant 0 : i32
          %dma_start3A_269 = arith.constant 0 : i32
          %dma_start3A_270 = tpu.memref_slice %run_scoped3A[%rem3A_265, %dma_start3A_268, %dma_start3A_269] : memref<2x1x128xi32, #tpu.memory_space<vmem>> -> memref<1x1x128xi32, #tpu.memory_space<vmem>>
          %dma_start3A_271 = tpu.memref_squeeze %dma_start3A_270 : memref<1x1x128xi32, #tpu.memory_space<vmem>> -> memref<1x128xi32, #tpu.memory_space<vmem>>
          %dma_start3A_272 = arith.constant 0 : i32
          %dma_start3A_273 = tpu.memref_slice %arg3[%dma_start3A_272, %mul3A_267] : memref<1x8192xi32, #tpu.memory_space<hbm>> -> memref<1x128xi32, #tpu.memory_space<hbm>>
          %dma_start3A_274 = tpu.memref_slice %run_scoped3A_7[%rem3A_265] : memref<2x!tpu.dma_semaphore, #tpu.memory_space<semaphore_mem>> -> memref<1x!tpu.dma_semaphore, #tpu.memory_space<semaphore_mem>>
          %dma_start3A_275 = tpu.memref_squeeze %dma_start3A_274 : memref<1x!tpu.dma_semaphore, #tpu.memory_space<semaphore_mem>> -> memref<!tpu.dma_semaphore, #tpu.memory_space<semaphore_mem>>
          %dma_start3A_276 = arith.constant 0 : i32
          %dma_start3A_277 = arith.constant 0 : i32
          %dma_start3A_278 = tpu.memref_slice %run_scoped3A[%rem3A_265, %dma_start3A_276, %dma_start3A_277] : memref<2x1x128xi32, #tpu.memory_space<vmem>> -> memref<1x1x128xi32, #tpu.memory_space<vmem>>
          %dma_start3A_279 = tpu.memref_squeeze %dma_start3A_278 : memref<1x1x128xi32, #tpu.memory_space<vmem>> -> memref<1x128xi32, #tpu.memory_space<vmem>>
          %dma_start3A_280 = arith.constant 0 : i32
          %dma_start3A_281 = tpu.memref_slice %arg3[%dma_start3A_280, %mul3A_267] : memref<1x8192xi32, #tpu.memory_space<hbm>> -> memref<1x128xi32, #tpu.memory_space<hbm>>
          tpu.enqueue_dma source(%dma_start3A_281 : memref<1x128xi32, #tpu.memory_space<hbm>>) target(%dma_start3A_279 : memref<1x128xi32, #tpu.memory_space<vmem>>) target_semaphore(%dma_start3A_275 : memref<!tpu.dma_semaphore, #tpu.memory_space<semaphore_mem>>)
          "tpu.trace_stop"() : () -> ()
        } else {
        }
        %and3A_163 = arith.constant true
        %and3A_164 = arith.andi %and3A, %and3A_163 : i1
        %add3A_165 = arith.constant 1 : i32
        %add3A_166 = arith.addi %scan3A_122, %add3A_165 : i32
        %select_n3A_167 = arith.select %and3A_164, %add3A_166, %scan3A_122 : i32
        %ne3A_168 = arith.cmpi ne, %add3A_131, %add3A_149 : i32
        %or3A_169 = arith.constant false
        %or3A_170 = arith.ori %or3A_169, %ne3A_168 : i1
        %or3A_171 = arith.constant false
        %or3A_172 = arith.ori %or3A_170, %or3A_171 : i1
        %ge3A_173 = arith.constant 1 : i32
        %ge3A_174 = arith.cmpi sge, %scan3A_121, %ge3A_173 : i32
        %not3A_175 = arith.constant true
        %not3A_176 = arith.xori %ge3A_174, %not3A_175 : i1
        %and3A_177 = arith.andi %or3A_172, %not3A_176 : i1
        %ne3A_178 = arith.cmpi ne, %add3A_131, %add3A_140 : i32
        %or3A_179 = arith.constant false
        %or3A_180 = arith.ori %or3A_179, %ne3A_178 : i1
        %or3A_181 = arith.ori %or3A_180, %eq3A_128 : i1
        %convert_element_type3A_182 = arith.extui %or3A_181 : i1 to i32
        %cond3A_183 = arith.constant 0 : i32
        %cond3A_184 = arith.cmpi ne, %convert_element_type3A_182, %cond3A_183 : i32
        scf.if %cond3A_184 {
          "tpu.trace_start"() <{level = 10 : i32, message = "ep_wait_in"}> : () -> ()
          %mul3A_264 = arith.constant 128 : i32
          %mul3A_265 = arith.muli %mul3A_264, %add3A_131 : i32
          %rem3A_266 = arith.constant 2 : i32
          %rem3A_267 = arith.remui %scan3A_123, %rem3A_266 : i32
          %dma_wait3A_268 = arith.constant 0 : i32
          %dma_wait3A_269 = arith.constant 0 : i32
          %dma_wait3A_270 = tpu.memref_slice %run_scoped3A[%rem3A_267, %dma_wait3A_268, %dma_wait3A_269] : memref<2x1x128xi32, #tpu.memory_space<vmem>> -> memref<1x1x128xi32, #tpu.memory_space<vmem>>
          %dma_wait3A_271 = tpu.memref_squeeze %dma_wait3A_270 : memref<1x1x128xi32, #tpu.memory_space<vmem>> -> memref<1x128xi32, #tpu.memory_space<vmem>>
          %dma_wait3A_272 = arith.constant 0 : i32
          %dma_wait3A_273 = tpu.memref_slice %arg3[%dma_wait3A_272, %mul3A_265] : memref<1x8192xi32, #tpu.memory_space<hbm>> -> memref<1x128xi32, #tpu.memory_space<hbm>>
          %dma_wait3A_274 = tpu.memref_slice %run_scoped3A_7[%rem3A_267] : memref<2x!tpu.dma_semaphore, #tpu.memory_space<semaphore_mem>> -> memref<1x!tpu.dma_semaphore, #tpu.memory_space<semaphore_mem>>
          %dma_wait3A_275 = tpu.memref_squeeze %dma_wait3A_274 : memref<1x!tpu.dma_semaphore, #tpu.memory_space<semaphore_mem>> -> memref<!tpu.dma_semaphore, #tpu.memory_space<semaphore_mem>>
          %dma_wait3A_276 = arith.constant 0 : i32
          %dma_wait3A_277 = arith.constant 0 : i32
          %dma_wait3A_278 = tpu.memref_slice %run_scoped3A[%rem3A_267, %dma_wait3A_276, %dma_wait3A_277] : memref<2x1x128xi32, #tpu.memory_space<vmem>> -> memref<1x1x128xi32, #tpu.memory_space<vmem>>
          %dma_wait3A_279 = tpu.memref_squeeze %dma_wait3A_278 : memref<1x1x128xi32, #tpu.memory_space<vmem>> -> memref<1x128xi32, #tpu.memory_space<vmem>>
          %dma_wait3A_280 = arith.constant 0 : i32
          %dma_wait3A_281 = tpu.memref_slice %arg3[%dma_wait3A_280, %mul3A_265] : memref<1x8192xi32, #tpu.memory_space<hbm>> -> memref<1x128xi32, #tpu.memory_space<hbm>>
          tpu.wait_dma2 semaphore(%dma_wait3A_275 : memref<!tpu.dma_semaphore, #tpu.memory_space<semaphore_mem>>) src(%dma_wait3A_281 : memref<1x128xi32, #tpu.memory_space<hbm>>) dst(%dma_wait3A_279 : memref<1x128xi32, #tpu.memory_space<vmem>>)
          "tpu.trace_stop"() : () -> ()
        } else {
        }
        %ne3A_185 = arith.cmpi ne, %add3A_131, %add3A_140 : i32
        %or3A_186 = arith.constant false
        %or3A_187 = arith.ori %or3A_186, %ne3A_185 : i1
        %or3A_188 = arith.constant false
        %or3A_189 = arith.ori %or3A_187, %or3A_188 : i1
        %or3A_190 = arith.ori %or3A_189, %eq3A_128 : i1
        %convert_element_type3A_191 = arith.extui %or3A_190 : i1 to i32
        %cond3A_192 = arith.constant 0 : i32
        %cond3A_193 = arith.cmpi ne, %convert_element_type3A_191, %cond3A_192 : i32
        scf.if %cond3A_193 {
        } else {
        }
        %rem3A_194 = arith.constant 2 : i32
        %rem3A_195 = arith.remui %scan3A_123, %rem3A_194 : i32
        %rem3A_196 = arith.constant 2 : i32
        %rem3A_197 = arith.remui %scan3A_124, %rem3A_196 : i32
        %run_scoped3A_198 = arith.constant 0 : i32
        "tpu.trace_start"() <{level = 10 : i32, message = "ep_run_kernel"}> : () -> ()
        "tpu.region"() ({
          %run_scoped3A_264 = tpu.sem_alloc : memref<!tpu.dma_semaphore, #tpu.memory_space<semaphore_mem>>
          %dma_start3A_265 = arith.constant 0 : i32
          %dma_start3A_266 = arith.constant 0 : i32
          %dma_start3A_267 = tpu.memref_slice %run_scoped3A_8[%rem3A_197, %dma_start3A_265, %dma_start3A_266] : memref<2x128x128xf32, #tpu.memory_space<vmem>> -> memref<1x128x128xf32, #tpu.memory_space<vmem>>
          %dma_start3A_268 = tpu.memref_squeeze %dma_start3A_267 : memref<1x128x128xf32, #tpu.memory_space<vmem>> -> memref<128x128xf32, #tpu.memory_space<vmem>>
          %dma_start3A_269 = arith.constant 0 : i32
          %dma_start3A_270 = arith.constant 0 : i32
          %dma_start3A_271 = tpu.memref_slice %run_scoped3A[%rem3A_195, %dma_start3A_269, %dma_start3A_270] : memref<2x1x128xi32, #tpu.memory_space<vmem>> -> memref<1x1x128xi32, #tpu.memory_space<vmem>>
          %dma_start3A_272 = tpu.memref_squeeze %dma_start3A_271 : memref<1x1x128xi32, #tpu.memory_space<vmem>> -> memref<1x128xi32, #tpu.memory_space<vmem>>
          %dma_start3A_273 = arith.constant 0 : i32
          %dma_start3A_274 = tpu.memref_slice %dma_start3A_272[%run_scoped3A_198, %dma_start3A_273] : memref<1x128xi32, #tpu.memory_space<vmem>> -> memref<1x128xi32, #tpu.memory_space<vmem>>
          %dma_start3A_275 = tpu.memref_squeeze %dma_start3A_274 : memref<1x128xi32, #tpu.memory_space<vmem>> -> memref<128xi32, #tpu.memory_space<vmem>>
          %dma_start3A_276 = arith.constant 0 : i32
          %dma_start3A_277 = arith.constant 0 : i32
          %dma_start3A_278 = tpu.memref_slice %arg2[%dma_start3A_276, %dma_start3A_277] : memref<2048x128xf32, #tpu.memory_space<hbm>> -> memref<2048x128xf32, #tpu.memory_space<hbm>>
          tpu.enqueue_indirect_dma source(%dma_start3A_278 : memref<2048x128xf32, #tpu.memory_space<hbm>>) target(%dma_start3A_268 : memref<128x128xf32, #tpu.memory_space<vmem>>) offsets(%dma_start3A_275 : memref<128xi32, #tpu.memory_space<vmem>>) semaphore(%run_scoped3A_264 : memref<!tpu.dma_semaphore, #tpu.memory_space<semaphore_mem>>)
          %dma_wait3A_279 = arith.constant 0 : i32
          %dma_wait3A_280 = arith.constant 0 : i32
          %dma_wait3A_281 = tpu.memref_slice %run_scoped3A_8[%rem3A_197, %dma_wait3A_279, %dma_wait3A_280] : memref<2x128x128xf32, #tpu.memory_space<vmem>> -> memref<1x128x128xf32, #tpu.memory_space<vmem>>
          %dma_wait3A_282 = tpu.memref_squeeze %dma_wait3A_281 : memref<1x128x128xf32, #tpu.memory_space<vmem>> -> memref<128x128xf32, #tpu.memory_space<vmem>>
          %dma_wait3A_283 = arith.constant 0 : i32
          %dma_wait3A_284 = arith.constant 0 : i32
          %dma_wait3A_285 = tpu.memref_slice %run_scoped3A[%rem3A_195, %dma_wait3A_283, %dma_wait3A_284] : memref<2x1x128xi32, #tpu.memory_space<vmem>> -> memref<1x1x128xi32, #tpu.memory_space<vmem>>
          %dma_wait3A_286 = tpu.memref_squeeze %dma_wait3A_285 : memref<1x1x128xi32, #tpu.memory_space<vmem>> -> memref<1x128xi32, #tpu.memory_space<vmem>>
          %dma_wait3A_287 = arith.constant 0 : i32
          %dma_wait3A_288 = tpu.memref_slice %dma_wait3A_286[%run_scoped3A_198, %dma_wait3A_287] : memref<1x128xi32, #tpu.memory_space<vmem>> -> memref<1x128xi32, #tpu.memory_space<vmem>>
          %dma_wait3A_289 = tpu.memref_squeeze %dma_wait3A_288 : memref<1x128xi32, #tpu.memory_space<vmem>> -> memref<128xi32, #tpu.memory_space<vmem>>
          %dma_wait3A_290 = arith.constant 0 : i32
          %dma_wait3A_291 = arith.constant 0 : i32
          %dma_wait3A_292 = tpu.memref_slice %arg2[%dma_wait3A_290, %dma_wait3A_291] : memref<2048x128xf32, #tpu.memory_space<hbm>> -> memref<2048x128xf32, #tpu.memory_space<hbm>>
          tpu.wait_indirect_dma semaphore(%run_scoped3A_264 : memref<!tpu.dma_semaphore, #tpu.memory_space<semaphore_mem>>) src(%dma_wait3A_292 : memref<2048x128xf32, #tpu.memory_space<hbm>>) dst(%dma_wait3A_282 : memref<128x128xf32, #tpu.memory_space<vmem>>)
          tpu.yield
        }) : () -> ()
        "tpu.trace_stop"() : () -> ()
        %ne3A_199 = arith.cmpi ne, %add3A_131, %add3A_149 : i32
        %or3A_200 = arith.constant false
        %or3A_201 = arith.ori %or3A_200, %ne3A_199 : i1
        %or3A_202 = arith.ori %or3A_201, %eq3A_130 : i1
        %convert_element_type3A_203 = arith.extui %or3A_202 : i1 to i32
        %cond3A_204 = arith.constant 0 : i32
        %cond3A_205 = arith.cmpi ne, %convert_element_type3A_203, %cond3A_204 : i32
        scf.if %cond3A_205 {
        } else {
        }
        %and3A_206 = arith.constant false
        %and3A_207 = arith.andi %or3A_202, %and3A_206 : i1
        %ne3A_208 = arith.cmpi ne, %add3A_131, %add3A_149 : i32
        %or3A_209 = arith.constant false
        %or3A_210 = arith.ori %or3A_209, %ne3A_208 : i1
        %or3A_211 = arith.constant false
        %or3A_212 = arith.ori %or3A_210, %or3A_211 : i1
        %or3A_213 = arith.ori %or3A_212, %eq3A_130 : i1
        %convert_element_type3A_214 = arith.extui %or3A_213 : i1 to i32
        %cond3A_215 = arith.constant 0 : i32
        %cond3A_216 = arith.cmpi ne, %convert_element_type3A_214, %cond3A_215 : i32
        scf.if %cond3A_216 {
          "tpu.trace_start"() <{level = 10 : i32, message = "ep_copy_out"}> : () -> ()
          %rem3A_264 = arith.constant 2 : i32
          %rem3A_265 = arith.remui %scan3A_124, %rem3A_264 : i32
          %mul3A_266 = arith.constant 128 : i32
          %mul3A_267 = arith.muli %mul3A_266, %add3A_131 : i32
          %dma_start3A_268 = arith.constant 0 : i32
          %dma_start3A_269 = arith.constant 0 : i32
          %dma_start3A_270 = tpu.memref_slice %run_scoped3A_8[%rem3A_265, %dma_start3A_268, %dma_start3A_269] : memref<2x128x128xf32, #tpu.memory_space<vmem>> -> memref<1x128x128xf32, #tpu.memory_space<vmem>>
          %dma_start3A_271 = tpu.memref_squeeze %dma_start3A_270 : memref<1x128x128xf32, #tpu.memory_space<vmem>> -> memref<128x128xf32, #tpu.memory_space<vmem>>
          %dma_start3A_272 = arith.constant 0 : i32
          %dma_start3A_273 = tpu.memref_slice %arg4[%mul3A_267, %dma_start3A_272] : memref<8192x128xf32, #tpu.memory_space<hbm>> -> memref<128x128xf32, #tpu.memory_space<hbm>>
          %dma_start3A_274 = tpu.memref_slice %run_scoped3A_9[%rem3A_265] : memref<2x!tpu.dma_semaphore, #tpu.memory_space<semaphore_mem>> -> memref<1x!tpu.dma_semaphore, #tpu.memory_space<semaphore_mem>>
          %dma_start3A_275 = tpu.memref_squeeze %dma_start3A_274 : memref<1x!tpu.dma_semaphore, #tpu.memory_space<semaphore_mem>> -> memref<!tpu.dma_semaphore, #tpu.memory_space<semaphore_mem>>
          %dma_start3A_276 = arith.constant 0 : i32
          %dma_start3A_277 = tpu.memref_slice %arg4[%mul3A_267, %dma_start3A_276] : memref<8192x128xf32, #tpu.memory_space<hbm>> -> memref<128x128xf32, #tpu.memory_space<hbm>>
          %dma_start3A_278 = arith.constant 0 : i32
          %dma_start3A_279 = arith.constant 0 : i32
          %dma_start3A_280 = tpu.memref_slice %run_scoped3A_8[%rem3A_265, %dma_start3A_278, %dma_start3A_279] : memref<2x128x128xf32, #tpu.memory_space<vmem>> -> memref<1x128x128xf32, #tpu.memory_space<vmem>>
          %dma_start3A_281 = tpu.memref_squeeze %dma_start3A_280 : memref<1x128x128xf32, #tpu.memory_space<vmem>> -> memref<128x128xf32, #tpu.memory_space<vmem>>
          tpu.enqueue_dma source(%dma_start3A_281 : memref<128x128xf32, #tpu.memory_space<vmem>>) target(%dma_start3A_277 : memref<128x128xf32, #tpu.memory_space<hbm>>) target_semaphore(%dma_start3A_275 : memref<!tpu.dma_semaphore, #tpu.memory_space<semaphore_mem>>)
          "tpu.trace_stop"() : () -> ()
        } else {
        }
        %and3A_217 = arith.constant true
        %and3A_218 = arith.andi %or3A_213, %and3A_217 : i1
        %add3A_219 = arith.constant 1 : i32
        %add3A_220 = arith.addi %scan3A_124, %add3A_219 : i32
        %select_n3A_221 = arith.select %and3A_218, %add3A_220, %scan3A_124 : i32
        %ne3A_222 = arith.cmpi ne, %add3A_131, %add3A_140 : i32
        %or3A_223 = arith.constant false
        %or3A_224 = arith.ori %or3A_223, %ne3A_222 : i1
        %not3A_225 = arith.constant true
        %not3A_226 = arith.xori %eq3A_128, %not3A_225 : i1
        %and3A_227 = arith.andi %or3A_224, %not3A_226 : i1
        %convert_element_type3A_228 = arith.extui %and3A_227 : i1 to i32
        %cond3A_229 = arith.constant 0 : i32
        %cond3A_230 = arith.cmpi ne, %convert_element_type3A_228, %cond3A_229 : i32
        scf.if %cond3A_230 {
        } else {
        }
        %and3A_231 = arith.constant false
        %and3A_232 = arith.andi %and3A_227, %and3A_231 : i1
        %ne3A_233 = arith.cmpi ne, %add3A_131, %add3A_140 : i32
        %or3A_234 = arith.constant false
        %or3A_235 = arith.ori %or3A_234, %ne3A_233 : i1
        %or3A_236 = arith.constant false
        %or3A_237 = arith.ori %or3A_235, %or3A_236 : i1
        %not3A_238 = arith.constant true
        %not3A_239 = arith.xori %eq3A_128, %not3A_238 : i1
        %and3A_240 = arith.andi %or3A_237, %not3A_239 : i1
        %convert_element_type3A_241 = arith.extui %and3A_240 : i1 to i32
        %cond3A_242 = arith.constant 0 : i32
        %cond3A_243 = arith.cmpi ne, %convert_element_type3A_241, %cond3A_242 : i32
        scf.if %cond3A_243 {
          "tpu.trace_start"() <{level = 10 : i32, message = "ep_wait_out"}> : () -> ()
          %rem3A_264 = arith.constant 2 : i32
          %rem3A_265 = arith.remui %scan3A_125, %rem3A_264 : i32
          %mul3A_266 = arith.constant 128 : i32
          %mul3A_267 = arith.muli %mul3A_266, %add3A_140 : i32
          %dma_wait3A_268 = arith.constant 0 : i32
          %dma_wait3A_269 = arith.constant 0 : i32
          %dma_wait3A_270 = tpu.memref_slice %run_scoped3A_8[%rem3A_265, %dma_wait3A_268, %dma_wait3A_269] : memref<2x128x128xf32, #tpu.memory_space<vmem>> -> memref<1x128x128xf32, #tpu.memory_space<vmem>>
          %dma_wait3A_271 = tpu.memref_squeeze %dma_wait3A_270 : memref<1x128x128xf32, #tpu.memory_space<vmem>> -> memref<128x128xf32, #tpu.memory_space<vmem>>
          %dma_wait3A_272 = arith.constant 0 : i32
          %dma_wait3A_273 = tpu.memref_slice %arg4[%mul3A_267, %dma_wait3A_272] : memref<8192x128xf32, #tpu.memory_space<hbm>> -> memref<128x128xf32, #tpu.memory_space<hbm>>
          %dma_wait3A_274 = tpu.memref_slice %run_scoped3A_9[%rem3A_265] : memref<2x!tpu.dma_semaphore, #tpu.memory_space<semaphore_mem>> -> memref<1x!tpu.dma_semaphore, #tpu.memory_space<semaphore_mem>>
          %dma_wait3A_275 = tpu.memref_squeeze %dma_wait3A_274 : memref<1x!tpu.dma_semaphore, #tpu.memory_space<semaphore_mem>> -> memref<!tpu.dma_semaphore, #tpu.memory_space<semaphore_mem>>
          %dma_wait3A_276 = arith.constant 0 : i32
          %dma_wait3A_277 = tpu.memref_slice %arg4[%mul3A_267, %dma_wait3A_276] : memref<8192x128xf32, #tpu.memory_space<hbm>> -> memref<128x128xf32, #tpu.memory_space<hbm>>
          %dma_wait3A_278 = arith.constant 0 : i32
          %dma_wait3A_279 = arith.constant 0 : i32
          %dma_wait3A_280 = tpu.memref_slice %run_scoped3A_8[%rem3A_265, %dma_wait3A_278, %dma_wait3A_279] : memref<2x128x128xf32, #tpu.memory_space<vmem>> -> memref<1x128x128xf32, #tpu.memory_space<vmem>>
          %dma_wait3A_281 = tpu.memref_squeeze %dma_wait3A_280 : memref<1x128x128xf32, #tpu.memory_space<vmem>> -> memref<128x128xf32, #tpu.memory_space<vmem>>
          tpu.wait_dma2 semaphore(%dma_wait3A_275 : memref<!tpu.dma_semaphore, #tpu.memory_space<semaphore_mem>>) src(%dma_wait3A_281 : memref<128x128xf32, #tpu.memory_space<vmem>>) dst(%dma_wait3A_277 : memref<128x128xf32, #tpu.memory_space<hbm>>)
          "tpu.trace_stop"() : () -> ()
        } else {
        }
        %and3A_244 = arith.constant true
        %and3A_245 = arith.andi %and3A_240, %and3A_244 : i1
        %add3A_246 = arith.constant 1 : i32
        %add3A_247 = arith.addi %scan3A_125, %add3A_246 : i32
        %select_n3A_248 = arith.select %and3A_245, %add3A_247, %scan3A_125 : i32
        %ne3A_249 = arith.cmpi ne, %add3A_131, %add3A_149 : i32
        %or3A_250 = arith.constant false
        %or3A_251 = arith.ori %or3A_250, %ne3A_249 : i1
        %or3A_252 = arith.ori %or3A_251, %eq3A_130 : i1
        %add3A_253 = arith.constant 1 : i32
        %add3A_254 = arith.addi %scan3A_123, %add3A_253 : i32
        %select_n3A_255 = arith.select %or3A_252, %add3A_254, %scan3A_123 : i32
        %add3A_256 = arith.constant 1 : i32
        %add3A_257 = arith.addi %scan3A_126, %add3A_256 : i32
        %select_n3A_258 = arith.constant true
        %select_n3A_259 = arith.select %select_n3A_258, %add3A_257, %scan3A_126 : i32
        %eq3A_260 = arith.constant 2 : i32
        %eq3A_261 = arith.cmpi eq, %select_n3A_259, %eq3A_260 : i32
        %select_n3A_262 = arith.constant 0 : i32
        %select_n3A_263 = arith.select %eq3A_261, %select_n3A_262, %select_n3A_259 : i32
        scf.yield %select_n3A_167, %select_n3A_255, %select_n3A_221, %select_n3A_248, %select_n3A_263 : i32, i32, i32, i32, i32
      }
      %scan3A_68 = arith.constant 2 : i32
      %sub3A = arith.constant 1 : i32
      %sub3A_69 = arith.subi %scan3A_67#4, %sub3A : i32
      %select_n3A_70 = arith.constant true
      %select_n3A_71 = arith.select %select_n3A_70, %sub3A_69, %scan3A_67#4 : i32
      %eq3A_72 = arith.constant -1 : i32
      %eq3A_73 = arith.cmpi eq, %select_n3A_71, %eq3A_72 : i32
      %select_n3A_74 = arith.constant 1 : i32
      %select_n3A_75 = arith.select %eq3A_73, %select_n3A_74, %select_n3A_71 : i32
      %add3A_76 = arith.addi %select_n3A_75, %mul3A_6 : i32
      %sub3A_77 = arith.constant 1 : i32
      %sub3A_78 = arith.subi %select_n3A_75, %sub3A_77 : i32
      %select_n3A_79 = arith.constant true
      %select_n3A_80 = arith.select %select_n3A_79, %sub3A_78, %select_n3A_75 : i32
      %eq3A_81 = arith.constant -1 : i32
      %eq3A_82 = arith.cmpi eq, %select_n3A_80, %eq3A_81 : i32
      %select_n3A_83 = arith.constant 1 : i32
      %select_n3A_84 = arith.select %eq3A_82, %select_n3A_83, %select_n3A_80 : i32
      %add3A_85 = arith.addi %select_n3A_84, %mul3A_6 : i32
      %add3A_86 = arith.constant 1 : i32
      %add3A_87 = arith.addi %select_n3A_75, %add3A_86 : i32
      %select_n3A_88 = arith.constant true
      %select_n3A_89 = arith.select %select_n3A_88, %add3A_87, %select_n3A_75 : i32
      %eq3A_90 = arith.constant 2 : i32
      %eq3A_91 = arith.cmpi eq, %select_n3A_89, %eq3A_90 : i32
      %select_n3A_92 = arith.constant 0 : i32
      %select_n3A_93 = arith.select %eq3A_91, %select_n3A_92, %select_n3A_89 : i32
      %add3A_94 = arith.addi %select_n3A_93, %mul3A_6 : i32
      %add3A_95 = arith.constant 1 : i32
      %add3A_96 = arith.addi %select_n3A_93, %add3A_95 : i32
      %select_n3A_97 = arith.constant true
      %select_n3A_98 = arith.select %select_n3A_97, %add3A_96, %select_n3A_93 : i32
      %eq3A_99 = arith.constant 2 : i32
      %eq3A_100 = arith.cmpi eq, %select_n3A_98, %eq3A_99 : i32
      %select_n3A_101 = arith.constant 0 : i32
      %select_n3A_102 = arith.select %eq3A_100, %select_n3A_101, %select_n3A_98 : i32
      %add3A_103 = arith.addi %select_n3A_102, %mul3A_6 : i32
      "tpu.trace_start"() <{level = 10 : i32, message = "ep_finalize"}> : () -> ()
      %rem3A_104 = arith.constant 2 : i32
      %rem3A_105 = arith.remui %scan3A_67#3, %rem3A_104 : i32
      %mul3A_106 = arith.constant 128 : i32
      %mul3A_107 = arith.muli %mul3A_106, %add3A_76 : i32
      %dma_wait3A = arith.constant 0 : i32
      %dma_wait3A_108 = arith.constant 0 : i32
      %dma_wait3A_109 = tpu.memref_slice %run_scoped3A_8[%rem3A_105, %dma_wait3A, %dma_wait3A_108] : memref<2x128x128xf32, #tpu.memory_space<vmem>> -> memref<1x128x128xf32, #tpu.memory_space<vmem>>
      %dma_wait3A_110 = tpu.memref_squeeze %dma_wait3A_109 : memref<1x128x128xf32, #tpu.memory_space<vmem>> -> memref<128x128xf32, #tpu.memory_space<vmem>>
      %dma_wait3A_111 = arith.constant 0 : i32
      %dma_wait3A_112 = tpu.memref_slice %arg4[%mul3A_107, %dma_wait3A_111] : memref<8192x128xf32, #tpu.memory_space<hbm>> -> memref<128x128xf32, #tpu.memory_space<hbm>>
      %dma_wait3A_113 = tpu.memref_slice %run_scoped3A_9[%rem3A_105] : memref<2x!tpu.dma_semaphore, #tpu.memory_space<semaphore_mem>> -> memref<1x!tpu.dma_semaphore, #tpu.memory_space<semaphore_mem>>
      %dma_wait3A_114 = tpu.memref_squeeze %dma_wait3A_113 : memref<1x!tpu.dma_semaphore, #tpu.memory_space<semaphore_mem>> -> memref<!tpu.dma_semaphore, #tpu.memory_space<semaphore_mem>>
      %dma_wait3A_115 = arith.constant 0 : i32
      %dma_wait3A_116 = tpu.memref_slice %arg4[%mul3A_107, %dma_wait3A_115] : memref<8192x128xf32, #tpu.memory_space<hbm>> -> memref<128x128xf32, #tpu.memory_space<hbm>>
      %dma_wait3A_117 = arith.constant 0 : i32
      %dma_wait3A_118 = arith.constant 0 : i32
      %dma_wait3A_119 = tpu.memref_slice %run_scoped3A_8[%rem3A_105, %dma_wait3A_117, %dma_wait3A_118] : memref<2x128x128xf32, #tpu.memory_space<vmem>> -> memref<1x128x128xf32, #tpu.memory_space<vmem>>
      %dma_wait3A_120 = tpu.memref_squeeze %dma_wait3A_119 : memref<1x128x128xf32, #tpu.memory_space<vmem>> -> memref<128x128xf32, #tpu.memory_space<vmem>>
      tpu.wait_dma2 semaphore(%dma_wait3A_114 : memref<!tpu.dma_semaphore, #tpu.memory_space<semaphore_mem>>) src(%dma_wait3A_120 : memref<128x128xf32, #tpu.memory_space<vmem>>) dst(%dma_wait3A_116 : memref<128x128xf32, #tpu.memory_space<hbm>>)
      "tpu.trace_stop"() : () -> ()
      tpu.yield
    }) : () -> ()
    return
  }
}

module attributes {stable_mosaic.version = 14 : i64} {
  func.func @_argmin_body(%arg0: i32, %arg1: memref<1x32x1024xf32, #tpu.memory_space<vmem>>, %arg2: memref<1x1x1024xf32, #tpu.memory_space<vmem>>, %arg3: memref<8192x32xf32, #tpu.memory_space<vmem>>, %arg4: memref<8192x1xf32, #tpu.memory_space<vmem>>, %arg5: memref<1x1x1024xi32, #tpu.memory_space<vmem>>, %arg6: memref<1x1x1024xi32, #tpu.memory_space<vmem>>) attributes {dimension_semantics = [#tpu.dimension_semantics<parallel>], iteration_bounds = array<i64: 8>, scalar_prefetch = 0 : i64, scratch_operands = 0 : i64, tpu.core_type = #tpu.core_type<tc>, window_params = [{transform_indices = @transform_0, window_bounds = array<i64: 1, 32, 1024>}, {transform_indices = @transform_1, window_bounds = array<i64: 1, 1, 1024>}, {pipeline_mode = #tpu.pipeline_mode<synchronous>, transform_indices = @transform_2, window_bounds = array<i64: 8192, 32>}, {pipeline_mode = #tpu.pipeline_mode<synchronous>, transform_indices = @transform_3, window_bounds = array<i64: 8192, 1>}, {transform_indices = @transform_4, window_bounds = array<i64: 1, 1, 1024>}, {transform_indices = @transform_5, window_bounds = array<i64: 1, 1, 1024>}]} {
    %get3A = arith.constant 0 : index
    %get3A_0 = arith.constant 0 : index
    %get3A_1 = arith.constant 0 : index
    %get3A_2 = vector.load %arg1[%get3A, %get3A_0, %get3A_1] : memref<1x32x1024xf32, #tpu.memory_space<vmem>>, vector<1x32x1024xf32>
    %get3A_3 = vector.shape_cast %get3A_2 : vector<1x32x1024xf32> to vector<32x1024xf32>
    %convert_element_type3A = arith.truncf %get3A_3 : vector<32x1024xf32> to vector<32x1024xbf16>
    %get3A_4 = arith.constant 0 : index
    %get3A_5 = arith.constant 0 : index
    %get3A_6 = arith.constant 0 : index
    %get3A_7 = vector.load %arg2[%get3A_4, %get3A_5, %get3A_6] : memref<1x1x1024xf32, #tpu.memory_space<vmem>>, vector<1x1x1024xf32>
    %get3A_8 = vector.shape_cast %get3A_7 : vector<1x1x1024xf32> to vector<1x1024xf32>
    %iota3A = tpu.iota {dimensions = array<i32: 0>} : vector<256x1024xi32>
    %broadcast_in_dim3A = arith.constant 0x7F800000 : f32
    %broadcast_in_dim3A_9 = vector.broadcast %broadcast_in_dim3A : f32 to vector<1x1024xf32>
    %broadcast_in_dim3A_10 = arith.constant 0 : i32
    %broadcast_in_dim3A_11 = vector.broadcast %broadcast_in_dim3A_10 : i32 to vector<1x1024xi32>
    %get3A_12 = arith.constant 0 : index
    %get3A_13 = arith.constant 0 : index
    %get3A_14 = vector.load %arg3[%get3A_12, %get3A_13] : memref<8192x32xf32, #tpu.memory_space<vmem>>, vector<256x32xf32>
    %get3A_15 = arith.constant 0 : index
    %get3A_16 = arith.constant 0 : index
    %get3A_17 = vector.load %arg4[%get3A_15, %get3A_16] : memref<8192x1xf32, #tpu.memory_space<vmem>>, vector<256x1xf32>
    %dot_general3A = arith.constant dense<0.000000e+00> : vector<256x1024xf32>
    %dot_general3A_18 = tpu.matmul %get3A_14, %convert_element_type3A, %dot_general3A {dimension_numbers = #tpu.dot_dimension_numbers<[1], [0], [0], [1], [0, 0, 1, 1], [], []>, transpose_lhs_hint = false} : vector<256x32xf32>, vector<32x1024xbf16>, vector<256x1024xf32> -> vector<256x1024xf32>
    %add3A = vector.broadcast %get3A_8 : vector<1x1024xf32> to vector<256x1024xf32>
    %add3A_19 = vector.broadcast %get3A_17 : vector<256x1xf32> to vector<256x1024xf32>
    %add3A_20 = arith.addf %add3A, %add3A_19 : vector<256x1024xf32>
    %sub3A = arith.subf %add3A_20, %dot_general3A_18 : vector<256x1024xf32>
    %reduce_min3A = arith.constant dense<0x7F800000> : vector<1024xf32>
    %reduce_min3A_21 = vector.multi_reduction <minimumf>, %sub3A, %reduce_min3A [0] : vector<256x1024xf32> to vector<1024xf32>
    %broadcast_in_dim3A_22 = vector.shape_cast %reduce_min3A_21 : vector<1024xf32> to vector<1x1024xf32>
    %eq3A = vector.broadcast %broadcast_in_dim3A_22 : vector<1x1024xf32> to vector<256x1024xf32>
    %eq3A_23 = arith.cmpf oeq, %sub3A, %eq3A : vector<256x1024xf32>
    %add3A_24 = arith.constant 0 : i32
    %add3A_25 = vector.broadcast %add3A_24 : i32 to vector<256x1024xi32>
    %add3A_26 = arith.addi %iota3A, %add3A_25 : vector<256x1024xi32>
    %jit3A = arith.constant 2147483647 : i32
    %broadcast_in_dim3A_27 = vector.broadcast %jit3A : i32 to vector<256x1024xi32>
    %select_n3A = arith.select %eq3A_23, %add3A_26, %broadcast_in_dim3A_27 : vector<256x1024xi1>, vector<256x1024xi32>
    %reduce_min3A_28 = arith.constant dense<2147483647> : vector<1024xi32>
    %reduce_min3A_29 = vector.multi_reduction <minsi>, %select_n3A, %reduce_min3A_28 [0] : vector<256x1024xi32> to vector<1024xi32>
    %broadcast_in_dim3A_30 = vector.shape_cast %reduce_min3A_29 : vector<1024xi32> to vector<1x1024xi32>
    %get3A_31 = arith.constant 256 : index
    %get3A_32 = arith.constant 0 : index
    %get3A_33 = vector.load %arg3[%get3A_31, %get3A_32] : memref<8192x32xf32, #tpu.memory_space<vmem>>, vector<256x32xf32>
    %get3A_34 = arith.constant 256 : index
    %get3A_35 = arith.constant 0 : index
    %get3A_36 = vector.load %arg4[%get3A_34, %get3A_35] : memref<8192x1xf32, #tpu.memory_space<vmem>>, vector<256x1xf32>
    %dot_general3A_37 = arith.constant dense<0.000000e+00> : vector<256x1024xf32>
    %dot_general3A_38 = tpu.matmul %get3A_33, %convert_element_type3A, %dot_general3A_37 {dimension_numbers = #tpu.dot_dimension_numbers<[1], [0], [0], [1], [0, 0, 1, 1], [], []>, transpose_lhs_hint = false} : vector<256x32xf32>, vector<32x1024xbf16>, vector<256x1024xf32> -> vector<256x1024xf32>
    %add3A_39 = vector.broadcast %get3A_8 : vector<1x1024xf32> to vector<256x1024xf32>
    %add3A_40 = vector.broadcast %get3A_36 : vector<256x1xf32> to vector<256x1024xf32>
    %add3A_41 = arith.addf %add3A_39, %add3A_40 : vector<256x1024xf32>
    %sub3A_42 = arith.subf %add3A_41, %dot_general3A_38 : vector<256x1024xf32>
    %reduce_min3A_43 = arith.constant dense<0x7F800000> : vector<1024xf32>
    %reduce_min3A_44 = vector.multi_reduction <minimumf>, %sub3A_42, %reduce_min3A_43 [0] : vector<256x1024xf32> to vector<1024xf32>
    %broadcast_in_dim3A_45 = vector.shape_cast %reduce_min3A_44 : vector<1024xf32> to vector<1x1024xf32>
    %eq3A_46 = vector.broadcast %broadcast_in_dim3A_45 : vector<1x1024xf32> to vector<256x1024xf32>
    %eq3A_47 = arith.cmpf oeq, %sub3A_42, %eq3A_46 : vector<256x1024xf32>
    %add3A_48 = arith.constant 256 : i32
    %add3A_49 = vector.broadcast %add3A_48 : i32 to vector<256x1024xi32>
    %add3A_50 = arith.addi %iota3A, %add3A_49 : vector<256x1024xi32>
    %jit3A_51 = arith.constant 2147483647 : i32
    %broadcast_in_dim3A_52 = vector.broadcast %jit3A_51 : i32 to vector<256x1024xi32>
    %select_n3A_53 = arith.select %eq3A_47, %add3A_50, %broadcast_in_dim3A_52 : vector<256x1024xi1>, vector<256x1024xi32>
    %reduce_min3A_54 = arith.constant dense<2147483647> : vector<1024xi32>
    %reduce_min3A_55 = vector.multi_reduction <minsi>, %select_n3A_53, %reduce_min3A_54 [0] : vector<256x1024xi32> to vector<1024xi32>
    %broadcast_in_dim3A_56 = vector.shape_cast %reduce_min3A_55 : vector<1024xi32> to vector<1x1024xi32>
    %lt3A = arith.cmpf olt, %broadcast_in_dim3A_45, %broadcast_in_dim3A_22 : vector<1x1024xf32>
    %select_n3A_57 = arith.select %lt3A, %broadcast_in_dim3A_45, %broadcast_in_dim3A_22 : vector<1x1024xi1>, vector<1x1024xf32>
    %select_n3A_58 = arith.select %lt3A, %broadcast_in_dim3A_56, %broadcast_in_dim3A_30 : vector<1x1024xi1>, vector<1x1024xi32>
    %get3A_59 = arith.constant 512 : index
    %get3A_60 = arith.constant 0 : index
    %get3A_61 = vector.load %arg3[%get3A_59, %get3A_60] : memref<8192x32xf32, #tpu.memory_space<vmem>>, vector<256x32xf32>
    %get3A_62 = arith.constant 512 : index
    %get3A_63 = arith.constant 0 : index
    %get3A_64 = vector.load %arg4[%get3A_62, %get3A_63] : memref<8192x1xf32, #tpu.memory_space<vmem>>, vector<256x1xf32>
    %dot_general3A_65 = arith.constant dense<0.000000e+00> : vector<256x1024xf32>
    %dot_general3A_66 = tpu.matmul %get3A_61, %convert_element_type3A, %dot_general3A_65 {dimension_numbers = #tpu.dot_dimension_numbers<[1], [0], [0], [1], [0, 0, 1, 1], [], []>, transpose_lhs_hint = false} : vector<256x32xf32>, vector<32x1024xbf16>, vector<256x1024xf32> -> vector<256x1024xf32>
    %add3A_67 = vector.broadcast %get3A_8 : vector<1x1024xf32> to vector<256x1024xf32>
    %add3A_68 = vector.broadcast %get3A_64 : vector<256x1xf32> to vector<256x1024xf32>
    %add3A_69 = arith.addf %add3A_67, %add3A_68 : vector<256x1024xf32>
    %sub3A_70 = arith.subf %add3A_69, %dot_general3A_66 : vector<256x1024xf32>
    %reduce_min3A_71 = arith.constant dense<0x7F800000> : vector<1024xf32>
    %reduce_min3A_72 = vector.multi_reduction <minimumf>, %sub3A_70, %reduce_min3A_71 [0] : vector<256x1024xf32> to vector<1024xf32>
    %broadcast_in_dim3A_73 = vector.shape_cast %reduce_min3A_72 : vector<1024xf32> to vector<1x1024xf32>
    %eq3A_74 = vector.broadcast %broadcast_in_dim3A_73 : vector<1x1024xf32> to vector<256x1024xf32>
    %eq3A_75 = arith.cmpf oeq, %sub3A_70, %eq3A_74 : vector<256x1024xf32>
    %add3A_76 = arith.constant 512 : i32
    %add3A_77 = vector.broadcast %add3A_76 : i32 to vector<256x1024xi32>
    %add3A_78 = arith.addi %iota3A, %add3A_77 : vector<256x1024xi32>
    %jit3A_79 = arith.constant 2147483647 : i32
    %broadcast_in_dim3A_80 = vector.broadcast %jit3A_79 : i32 to vector<256x1024xi32>
    %select_n3A_81 = arith.select %eq3A_75, %add3A_78, %broadcast_in_dim3A_80 : vector<256x1024xi1>, vector<256x1024xi32>
    %reduce_min3A_82 = arith.constant dense<2147483647> : vector<1024xi32>
    %reduce_min3A_83 = vector.multi_reduction <minsi>, %select_n3A_81, %reduce_min3A_82 [0] : vector<256x1024xi32> to vector<1024xi32>
    %broadcast_in_dim3A_84 = vector.shape_cast %reduce_min3A_83 : vector<1024xi32> to vector<1x1024xi32>
    %lt3A_85 = arith.cmpf olt, %broadcast_in_dim3A_73, %select_n3A_57 : vector<1x1024xf32>
    %select_n3A_86 = arith.select %lt3A_85, %broadcast_in_dim3A_73, %select_n3A_57 : vector<1x1024xi1>, vector<1x1024xf32>
    %select_n3A_87 = arith.select %lt3A_85, %broadcast_in_dim3A_84, %select_n3A_58 : vector<1x1024xi1>, vector<1x1024xi32>
    %get3A_88 = arith.constant 768 : index
    %get3A_89 = arith.constant 0 : index
    %get3A_90 = vector.load %arg3[%get3A_88, %get3A_89] : memref<8192x32xf32, #tpu.memory_space<vmem>>, vector<256x32xf32>
    %get3A_91 = arith.constant 768 : index
    %get3A_92 = arith.constant 0 : index
    %get3A_93 = vector.load %arg4[%get3A_91, %get3A_92] : memref<8192x1xf32, #tpu.memory_space<vmem>>, vector<256x1xf32>
    %dot_general3A_94 = arith.constant dense<0.000000e+00> : vector<256x1024xf32>
    %dot_general3A_95 = tpu.matmul %get3A_90, %convert_element_type3A, %dot_general3A_94 {dimension_numbers = #tpu.dot_dimension_numbers<[1], [0], [0], [1], [0, 0, 1, 1], [], []>, transpose_lhs_hint = false} : vector<256x32xf32>, vector<32x1024xbf16>, vector<256x1024xf32> -> vector<256x1024xf32>
    %add3A_96 = vector.broadcast %get3A_8 : vector<1x1024xf32> to vector<256x1024xf32>
    %add3A_97 = vector.broadcast %get3A_93 : vector<256x1xf32> to vector<256x1024xf32>
    %add3A_98 = arith.addf %add3A_96, %add3A_97 : vector<256x1024xf32>
    %sub3A_99 = arith.subf %add3A_98, %dot_general3A_95 : vector<256x1024xf32>
    %reduce_min3A_100 = arith.constant dense<0x7F800000> : vector<1024xf32>
    %reduce_min3A_101 = vector.multi_reduction <minimumf>, %sub3A_99, %reduce_min3A_100 [0] : vector<256x1024xf32> to vector<1024xf32>
    %broadcast_in_dim3A_102 = vector.shape_cast %reduce_min3A_101 : vector<1024xf32> to vector<1x1024xf32>
    %eq3A_103 = vector.broadcast %broadcast_in_dim3A_102 : vector<1x1024xf32> to vector<256x1024xf32>
    %eq3A_104 = arith.cmpf oeq, %sub3A_99, %eq3A_103 : vector<256x1024xf32>
    %add3A_105 = arith.constant 768 : i32
    %add3A_106 = vector.broadcast %add3A_105 : i32 to vector<256x1024xi32>
    %add3A_107 = arith.addi %iota3A, %add3A_106 : vector<256x1024xi32>
    %jit3A_108 = arith.constant 2147483647 : i32
    %broadcast_in_dim3A_109 = vector.broadcast %jit3A_108 : i32 to vector<256x1024xi32>
    %select_n3A_110 = arith.select %eq3A_104, %add3A_107, %broadcast_in_dim3A_109 : vector<256x1024xi1>, vector<256x1024xi32>
    %reduce_min3A_111 = arith.constant dense<2147483647> : vector<1024xi32>
    %reduce_min3A_112 = vector.multi_reduction <minsi>, %select_n3A_110, %reduce_min3A_111 [0] : vector<256x1024xi32> to vector<1024xi32>
    %broadcast_in_dim3A_113 = vector.shape_cast %reduce_min3A_112 : vector<1024xi32> to vector<1x1024xi32>
    %lt3A_114 = arith.cmpf olt, %broadcast_in_dim3A_102, %select_n3A_86 : vector<1x1024xf32>
    %select_n3A_115 = arith.select %lt3A_114, %broadcast_in_dim3A_102, %select_n3A_86 : vector<1x1024xi1>, vector<1x1024xf32>
    %select_n3A_116 = arith.select %lt3A_114, %broadcast_in_dim3A_113, %select_n3A_87 : vector<1x1024xi1>, vector<1x1024xi32>
    %get3A_117 = arith.constant 1024 : index
    %get3A_118 = arith.constant 0 : index
    %get3A_119 = vector.load %arg3[%get3A_117, %get3A_118] : memref<8192x32xf32, #tpu.memory_space<vmem>>, vector<256x32xf32>
    %get3A_120 = arith.constant 1024 : index
    %get3A_121 = arith.constant 0 : index
    %get3A_122 = vector.load %arg4[%get3A_120, %get3A_121] : memref<8192x1xf32, #tpu.memory_space<vmem>>, vector<256x1xf32>
    %dot_general3A_123 = arith.constant dense<0.000000e+00> : vector<256x1024xf32>
    %dot_general3A_124 = tpu.matmul %get3A_119, %convert_element_type3A, %dot_general3A_123 {dimension_numbers = #tpu.dot_dimension_numbers<[1], [0], [0], [1], [0, 0, 1, 1], [], []>, transpose_lhs_hint = false} : vector<256x32xf32>, vector<32x1024xbf16>, vector<256x1024xf32> -> vector<256x1024xf32>
    %add3A_125 = vector.broadcast %get3A_8 : vector<1x1024xf32> to vector<256x1024xf32>
    %add3A_126 = vector.broadcast %get3A_122 : vector<256x1xf32> to vector<256x1024xf32>
    %add3A_127 = arith.addf %add3A_125, %add3A_126 : vector<256x1024xf32>
    %sub3A_128 = arith.subf %add3A_127, %dot_general3A_124 : vector<256x1024xf32>
    %reduce_min3A_129 = arith.constant dense<0x7F800000> : vector<1024xf32>
    %reduce_min3A_130 = vector.multi_reduction <minimumf>, %sub3A_128, %reduce_min3A_129 [0] : vector<256x1024xf32> to vector<1024xf32>
    %broadcast_in_dim3A_131 = vector.shape_cast %reduce_min3A_130 : vector<1024xf32> to vector<1x1024xf32>
    %eq3A_132 = vector.broadcast %broadcast_in_dim3A_131 : vector<1x1024xf32> to vector<256x1024xf32>
    %eq3A_133 = arith.cmpf oeq, %sub3A_128, %eq3A_132 : vector<256x1024xf32>
    %add3A_134 = arith.constant 1024 : i32
    %add3A_135 = vector.broadcast %add3A_134 : i32 to vector<256x1024xi32>
    %add3A_136 = arith.addi %iota3A, %add3A_135 : vector<256x1024xi32>
    %jit3A_137 = arith.constant 2147483647 : i32
    %broadcast_in_dim3A_138 = vector.broadcast %jit3A_137 : i32 to vector<256x1024xi32>
    %select_n3A_139 = arith.select %eq3A_133, %add3A_136, %broadcast_in_dim3A_138 : vector<256x1024xi1>, vector<256x1024xi32>
    %reduce_min3A_140 = arith.constant dense<2147483647> : vector<1024xi32>
    %reduce_min3A_141 = vector.multi_reduction <minsi>, %select_n3A_139, %reduce_min3A_140 [0] : vector<256x1024xi32> to vector<1024xi32>
    %broadcast_in_dim3A_142 = vector.shape_cast %reduce_min3A_141 : vector<1024xi32> to vector<1x1024xi32>
    %lt3A_143 = arith.cmpf olt, %broadcast_in_dim3A_131, %select_n3A_115 : vector<1x1024xf32>
    %select_n3A_144 = arith.select %lt3A_143, %broadcast_in_dim3A_131, %select_n3A_115 : vector<1x1024xi1>, vector<1x1024xf32>
    %select_n3A_145 = arith.select %lt3A_143, %broadcast_in_dim3A_142, %select_n3A_116 : vector<1x1024xi1>, vector<1x1024xi32>
    %get3A_146 = arith.constant 1280 : index
    %get3A_147 = arith.constant 0 : index
    %get3A_148 = vector.load %arg3[%get3A_146, %get3A_147] : memref<8192x32xf32, #tpu.memory_space<vmem>>, vector<256x32xf32>
    %get3A_149 = arith.constant 1280 : index
    %get3A_150 = arith.constant 0 : index
    %get3A_151 = vector.load %arg4[%get3A_149, %get3A_150] : memref<8192x1xf32, #tpu.memory_space<vmem>>, vector<256x1xf32>
    %dot_general3A_152 = arith.constant dense<0.000000e+00> : vector<256x1024xf32>
    %dot_general3A_153 = tpu.matmul %get3A_148, %convert_element_type3A, %dot_general3A_152 {dimension_numbers = #tpu.dot_dimension_numbers<[1], [0], [0], [1], [0, 0, 1, 1], [], []>, transpose_lhs_hint = false} : vector<256x32xf32>, vector<32x1024xbf16>, vector<256x1024xf32> -> vector<256x1024xf32>
    %add3A_154 = vector.broadcast %get3A_8 : vector<1x1024xf32> to vector<256x1024xf32>
    %add3A_155 = vector.broadcast %get3A_151 : vector<256x1xf32> to vector<256x1024xf32>
    %add3A_156 = arith.addf %add3A_154, %add3A_155 : vector<256x1024xf32>
    %sub3A_157 = arith.subf %add3A_156, %dot_general3A_153 : vector<256x1024xf32>
    %reduce_min3A_158 = arith.constant dense<0x7F800000> : vector<1024xf32>
    %reduce_min3A_159 = vector.multi_reduction <minimumf>, %sub3A_157, %reduce_min3A_158 [0] : vector<256x1024xf32> to vector<1024xf32>
    %broadcast_in_dim3A_160 = vector.shape_cast %reduce_min3A_159 : vector<1024xf32> to vector<1x1024xf32>
    %eq3A_161 = vector.broadcast %broadcast_in_dim3A_160 : vector<1x1024xf32> to vector<256x1024xf32>
    %eq3A_162 = arith.cmpf oeq, %sub3A_157, %eq3A_161 : vector<256x1024xf32>
    %add3A_163 = arith.constant 1280 : i32
    %add3A_164 = vector.broadcast %add3A_163 : i32 to vector<256x1024xi32>
    %add3A_165 = arith.addi %iota3A, %add3A_164 : vector<256x1024xi32>
    %jit3A_166 = arith.constant 2147483647 : i32
    %broadcast_in_dim3A_167 = vector.broadcast %jit3A_166 : i32 to vector<256x1024xi32>
    %select_n3A_168 = arith.select %eq3A_162, %add3A_165, %broadcast_in_dim3A_167 : vector<256x1024xi1>, vector<256x1024xi32>
    %reduce_min3A_169 = arith.constant dense<2147483647> : vector<1024xi32>
    %reduce_min3A_170 = vector.multi_reduction <minsi>, %select_n3A_168, %reduce_min3A_169 [0] : vector<256x1024xi32> to vector<1024xi32>
    %broadcast_in_dim3A_171 = vector.shape_cast %reduce_min3A_170 : vector<1024xi32> to vector<1x1024xi32>
    %lt3A_172 = arith.cmpf olt, %broadcast_in_dim3A_160, %select_n3A_144 : vector<1x1024xf32>
    %select_n3A_173 = arith.select %lt3A_172, %broadcast_in_dim3A_160, %select_n3A_144 : vector<1x1024xi1>, vector<1x1024xf32>
    %select_n3A_174 = arith.select %lt3A_172, %broadcast_in_dim3A_171, %select_n3A_145 : vector<1x1024xi1>, vector<1x1024xi32>
    %get3A_175 = arith.constant 1536 : index
    %get3A_176 = arith.constant 0 : index
    %get3A_177 = vector.load %arg3[%get3A_175, %get3A_176] : memref<8192x32xf32, #tpu.memory_space<vmem>>, vector<256x32xf32>
    %get3A_178 = arith.constant 1536 : index
    %get3A_179 = arith.constant 0 : index
    %get3A_180 = vector.load %arg4[%get3A_178, %get3A_179] : memref<8192x1xf32, #tpu.memory_space<vmem>>, vector<256x1xf32>
    %dot_general3A_181 = arith.constant dense<0.000000e+00> : vector<256x1024xf32>
    %dot_general3A_182 = tpu.matmul %get3A_177, %convert_element_type3A, %dot_general3A_181 {dimension_numbers = #tpu.dot_dimension_numbers<[1], [0], [0], [1], [0, 0, 1, 1], [], []>, transpose_lhs_hint = false} : vector<256x32xf32>, vector<32x1024xbf16>, vector<256x1024xf32> -> vector<256x1024xf32>
    %add3A_183 = vector.broadcast %get3A_8 : vector<1x1024xf32> to vector<256x1024xf32>
    %add3A_184 = vector.broadcast %get3A_180 : vector<256x1xf32> to vector<256x1024xf32>
    %add3A_185 = arith.addf %add3A_183, %add3A_184 : vector<256x1024xf32>
    %sub3A_186 = arith.subf %add3A_185, %dot_general3A_182 : vector<256x1024xf32>
    %reduce_min3A_187 = arith.constant dense<0x7F800000> : vector<1024xf32>
    %reduce_min3A_188 = vector.multi_reduction <minimumf>, %sub3A_186, %reduce_min3A_187 [0] : vector<256x1024xf32> to vector<1024xf32>
    %broadcast_in_dim3A_189 = vector.shape_cast %reduce_min3A_188 : vector<1024xf32> to vector<1x1024xf32>
    %eq3A_190 = vector.broadcast %broadcast_in_dim3A_189 : vector<1x1024xf32> to vector<256x1024xf32>
    %eq3A_191 = arith.cmpf oeq, %sub3A_186, %eq3A_190 : vector<256x1024xf32>
    %add3A_192 = arith.constant 1536 : i32
    %add3A_193 = vector.broadcast %add3A_192 : i32 to vector<256x1024xi32>
    %add3A_194 = arith.addi %iota3A, %add3A_193 : vector<256x1024xi32>
    %jit3A_195 = arith.constant 2147483647 : i32
    %broadcast_in_dim3A_196 = vector.broadcast %jit3A_195 : i32 to vector<256x1024xi32>
    %select_n3A_197 = arith.select %eq3A_191, %add3A_194, %broadcast_in_dim3A_196 : vector<256x1024xi1>, vector<256x1024xi32>
    %reduce_min3A_198 = arith.constant dense<2147483647> : vector<1024xi32>
    %reduce_min3A_199 = vector.multi_reduction <minsi>, %select_n3A_197, %reduce_min3A_198 [0] : vector<256x1024xi32> to vector<1024xi32>
    %broadcast_in_dim3A_200 = vector.shape_cast %reduce_min3A_199 : vector<1024xi32> to vector<1x1024xi32>
    %lt3A_201 = arith.cmpf olt, %broadcast_in_dim3A_189, %select_n3A_173 : vector<1x1024xf32>
    %select_n3A_202 = arith.select %lt3A_201, %broadcast_in_dim3A_189, %select_n3A_173 : vector<1x1024xi1>, vector<1x1024xf32>
    %select_n3A_203 = arith.select %lt3A_201, %broadcast_in_dim3A_200, %select_n3A_174 : vector<1x1024xi1>, vector<1x1024xi32>
    %get3A_204 = arith.constant 1792 : index
    %get3A_205 = arith.constant 0 : index
    %get3A_206 = vector.load %arg3[%get3A_204, %get3A_205] : memref<8192x32xf32, #tpu.memory_space<vmem>>, vector<256x32xf32>
    %get3A_207 = arith.constant 1792 : index
    %get3A_208 = arith.constant 0 : index
    %get3A_209 = vector.load %arg4[%get3A_207, %get3A_208] : memref<8192x1xf32, #tpu.memory_space<vmem>>, vector<256x1xf32>
    %dot_general3A_210 = arith.constant dense<0.000000e+00> : vector<256x1024xf32>
    %dot_general3A_211 = tpu.matmul %get3A_206, %convert_element_type3A, %dot_general3A_210 {dimension_numbers = #tpu.dot_dimension_numbers<[1], [0], [0], [1], [0, 0, 1, 1], [], []>, transpose_lhs_hint = false} : vector<256x32xf32>, vector<32x1024xbf16>, vector<256x1024xf32> -> vector<256x1024xf32>
    %add3A_212 = vector.broadcast %get3A_8 : vector<1x1024xf32> to vector<256x1024xf32>
    %add3A_213 = vector.broadcast %get3A_209 : vector<256x1xf32> to vector<256x1024xf32>
    %add3A_214 = arith.addf %add3A_212, %add3A_213 : vector<256x1024xf32>
    %sub3A_215 = arith.subf %add3A_214, %dot_general3A_211 : vector<256x1024xf32>
    %reduce_min3A_216 = arith.constant dense<0x7F800000> : vector<1024xf32>
    %reduce_min3A_217 = vector.multi_reduction <minimumf>, %sub3A_215, %reduce_min3A_216 [0] : vector<256x1024xf32> to vector<1024xf32>
    %broadcast_in_dim3A_218 = vector.shape_cast %reduce_min3A_217 : vector<1024xf32> to vector<1x1024xf32>
    %eq3A_219 = vector.broadcast %broadcast_in_dim3A_218 : vector<1x1024xf32> to vector<256x1024xf32>
    %eq3A_220 = arith.cmpf oeq, %sub3A_215, %eq3A_219 : vector<256x1024xf32>
    %add3A_221 = arith.constant 1792 : i32
    %add3A_222 = vector.broadcast %add3A_221 : i32 to vector<256x1024xi32>
    %add3A_223 = arith.addi %iota3A, %add3A_222 : vector<256x1024xi32>
    %jit3A_224 = arith.constant 2147483647 : i32
    %broadcast_in_dim3A_225 = vector.broadcast %jit3A_224 : i32 to vector<256x1024xi32>
    %select_n3A_226 = arith.select %eq3A_220, %add3A_223, %broadcast_in_dim3A_225 : vector<256x1024xi1>, vector<256x1024xi32>
    %reduce_min3A_227 = arith.constant dense<2147483647> : vector<1024xi32>
    %reduce_min3A_228 = vector.multi_reduction <minsi>, %select_n3A_226, %reduce_min3A_227 [0] : vector<256x1024xi32> to vector<1024xi32>
    %broadcast_in_dim3A_229 = vector.shape_cast %reduce_min3A_228 : vector<1024xi32> to vector<1x1024xi32>
    %lt3A_230 = arith.cmpf olt, %broadcast_in_dim3A_218, %select_n3A_202 : vector<1x1024xf32>
    %select_n3A_231 = arith.select %lt3A_230, %broadcast_in_dim3A_218, %select_n3A_202 : vector<1x1024xi1>, vector<1x1024xf32>
    %select_n3A_232 = arith.select %lt3A_230, %broadcast_in_dim3A_229, %select_n3A_203 : vector<1x1024xi1>, vector<1x1024xi32>
    %lt3A_233 = arith.cmpf olt, %select_n3A_231, %broadcast_in_dim3A_9 : vector<1x1024xf32>
    %eq3A_234 = arith.cmpf oeq, %select_n3A_231, %broadcast_in_dim3A_9 : vector<1x1024xf32>
    %lt3A_235 = arith.cmpi slt, %select_n3A_232, %broadcast_in_dim3A_11 : vector<1x1024xi32>
    %and3A = arith.andi %eq3A_234, %lt3A_235 : vector<1x1024xi1>
    %or3A = arith.ori %lt3A_233, %and3A : vector<1x1024xi1>
    %convert_element_type3A_236 = arith.truncf %select_n3A_231 : vector<1x1024xf32> to vector<1x1024xbf16>
    %convert_element_type3A_237 = arith.extf %convert_element_type3A_236 : vector<1x1024xbf16> to vector<1x1024xf32>
    %select_n3A_238 = arith.select %or3A, %convert_element_type3A_237, %broadcast_in_dim3A_9 : vector<1x1024xi1>, vector<1x1024xf32>
    %select_n3A_239 = arith.select %or3A, %select_n3A_232, %broadcast_in_dim3A_11 : vector<1x1024xi1>, vector<1x1024xi32>
    %get3A_240 = arith.constant 2048 : index
    %get3A_241 = arith.constant 0 : index
    %get3A_242 = vector.load %arg3[%get3A_240, %get3A_241] : memref<8192x32xf32, #tpu.memory_space<vmem>>, vector<256x32xf32>
    %get3A_243 = arith.constant 2048 : index
    %get3A_244 = arith.constant 0 : index
    %get3A_245 = vector.load %arg4[%get3A_243, %get3A_244] : memref<8192x1xf32, #tpu.memory_space<vmem>>, vector<256x1xf32>
    %dot_general3A_246 = arith.constant dense<0.000000e+00> : vector<256x1024xf32>
    %dot_general3A_247 = tpu.matmul %get3A_242, %convert_element_type3A, %dot_general3A_246 {dimension_numbers = #tpu.dot_dimension_numbers<[1], [0], [0], [1], [0, 0, 1, 1], [], []>, transpose_lhs_hint = false} : vector<256x32xf32>, vector<32x1024xbf16>, vector<256x1024xf32> -> vector<256x1024xf32>
    %add3A_248 = vector.broadcast %get3A_8 : vector<1x1024xf32> to vector<256x1024xf32>
    %add3A_249 = vector.broadcast %get3A_245 : vector<256x1xf32> to vector<256x1024xf32>
    %add3A_250 = arith.addf %add3A_248, %add3A_249 : vector<256x1024xf32>
    %sub3A_251 = arith.subf %add3A_250, %dot_general3A_247 : vector<256x1024xf32>
    %reduce_min3A_252 = arith.constant dense<0x7F800000> : vector<1024xf32>
    %reduce_min3A_253 = vector.multi_reduction <minimumf>, %sub3A_251, %reduce_min3A_252 [0] : vector<256x1024xf32> to vector<1024xf32>
    %broadcast_in_dim3A_254 = vector.shape_cast %reduce_min3A_253 : vector<1024xf32> to vector<1x1024xf32>
    %eq3A_255 = vector.broadcast %broadcast_in_dim3A_254 : vector<1x1024xf32> to vector<256x1024xf32>
    %eq3A_256 = arith.cmpf oeq, %sub3A_251, %eq3A_255 : vector<256x1024xf32>
    %add3A_257 = arith.constant 2048 : i32
    %add3A_258 = vector.broadcast %add3A_257 : i32 to vector<256x1024xi32>
    %add3A_259 = arith.addi %iota3A, %add3A_258 : vector<256x1024xi32>
    %jit3A_260 = arith.constant 2147483647 : i32
    %broadcast_in_dim3A_261 = vector.broadcast %jit3A_260 : i32 to vector<256x1024xi32>
    %select_n3A_262 = arith.select %eq3A_256, %add3A_259, %broadcast_in_dim3A_261 : vector<256x1024xi1>, vector<256x1024xi32>
    %reduce_min3A_263 = arith.constant dense<2147483647> : vector<1024xi32>
    %reduce_min3A_264 = vector.multi_reduction <minsi>, %select_n3A_262, %reduce_min3A_263 [0] : vector<256x1024xi32> to vector<1024xi32>
    %broadcast_in_dim3A_265 = vector.shape_cast %reduce_min3A_264 : vector<1024xi32> to vector<1x1024xi32>
    %get3A_266 = arith.constant 2304 : index
    %get3A_267 = arith.constant 0 : index
    %get3A_268 = vector.load %arg3[%get3A_266, %get3A_267] : memref<8192x32xf32, #tpu.memory_space<vmem>>, vector<256x32xf32>
    %get3A_269 = arith.constant 2304 : index
    %get3A_270 = arith.constant 0 : index
    %get3A_271 = vector.load %arg4[%get3A_269, %get3A_270] : memref<8192x1xf32, #tpu.memory_space<vmem>>, vector<256x1xf32>
    %dot_general3A_272 = arith.constant dense<0.000000e+00> : vector<256x1024xf32>
    %dot_general3A_273 = tpu.matmul %get3A_268, %convert_element_type3A, %dot_general3A_272 {dimension_numbers = #tpu.dot_dimension_numbers<[1], [0], [0], [1], [0, 0, 1, 1], [], []>, transpose_lhs_hint = false} : vector<256x32xf32>, vector<32x1024xbf16>, vector<256x1024xf32> -> vector<256x1024xf32>
    %add3A_274 = vector.broadcast %get3A_8 : vector<1x1024xf32> to vector<256x1024xf32>
    %add3A_275 = vector.broadcast %get3A_271 : vector<256x1xf32> to vector<256x1024xf32>
    %add3A_276 = arith.addf %add3A_274, %add3A_275 : vector<256x1024xf32>
    %sub3A_277 = arith.subf %add3A_276, %dot_general3A_273 : vector<256x1024xf32>
    %reduce_min3A_278 = arith.constant dense<0x7F800000> : vector<1024xf32>
    %reduce_min3A_279 = vector.multi_reduction <minimumf>, %sub3A_277, %reduce_min3A_278 [0] : vector<256x1024xf32> to vector<1024xf32>
    %broadcast_in_dim3A_280 = vector.shape_cast %reduce_min3A_279 : vector<1024xf32> to vector<1x1024xf32>
    %eq3A_281 = vector.broadcast %broadcast_in_dim3A_280 : vector<1x1024xf32> to vector<256x1024xf32>
    %eq3A_282 = arith.cmpf oeq, %sub3A_277, %eq3A_281 : vector<256x1024xf32>
    %add3A_283 = arith.constant 2304 : i32
    %add3A_284 = vector.broadcast %add3A_283 : i32 to vector<256x1024xi32>
    %add3A_285 = arith.addi %iota3A, %add3A_284 : vector<256x1024xi32>
    %jit3A_286 = arith.constant 2147483647 : i32
    %broadcast_in_dim3A_287 = vector.broadcast %jit3A_286 : i32 to vector<256x1024xi32>
    %select_n3A_288 = arith.select %eq3A_282, %add3A_285, %broadcast_in_dim3A_287 : vector<256x1024xi1>, vector<256x1024xi32>
    %reduce_min3A_289 = arith.constant dense<2147483647> : vector<1024xi32>
    %reduce_min3A_290 = vector.multi_reduction <minsi>, %select_n3A_288, %reduce_min3A_289 [0] : vector<256x1024xi32> to vector<1024xi32>
    %broadcast_in_dim3A_291 = vector.shape_cast %reduce_min3A_290 : vector<1024xi32> to vector<1x1024xi32>
    %lt3A_292 = arith.cmpf olt, %broadcast_in_dim3A_280, %broadcast_in_dim3A_254 : vector<1x1024xf32>
    %select_n3A_293 = arith.select %lt3A_292, %broadcast_in_dim3A_280, %broadcast_in_dim3A_254 : vector<1x1024xi1>, vector<1x1024xf32>
    %select_n3A_294 = arith.select %lt3A_292, %broadcast_in_dim3A_291, %broadcast_in_dim3A_265 : vector<1x1024xi1>, vector<1x1024xi32>
    %get3A_295 = arith.constant 2560 : index
    %get3A_296 = arith.constant 0 : index
    %get3A_297 = vector.load %arg3[%get3A_295, %get3A_296] : memref<8192x32xf32, #tpu.memory_space<vmem>>, vector<256x32xf32>
    %get3A_298 = arith.constant 2560 : index
    %get3A_299 = arith.constant 0 : index
    %get3A_300 = vector.load %arg4[%get3A_298, %get3A_299] : memref<8192x1xf32, #tpu.memory_space<vmem>>, vector<256x1xf32>
    %dot_general3A_301 = arith.constant dense<0.000000e+00> : vector<256x1024xf32>
    %dot_general3A_302 = tpu.matmul %get3A_297, %convert_element_type3A, %dot_general3A_301 {dimension_numbers = #tpu.dot_dimension_numbers<[1], [0], [0], [1], [0, 0, 1, 1], [], []>, transpose_lhs_hint = false} : vector<256x32xf32>, vector<32x1024xbf16>, vector<256x1024xf32> -> vector<256x1024xf32>
    %add3A_303 = vector.broadcast %get3A_8 : vector<1x1024xf32> to vector<256x1024xf32>
    %add3A_304 = vector.broadcast %get3A_300 : vector<256x1xf32> to vector<256x1024xf32>
    %add3A_305 = arith.addf %add3A_303, %add3A_304 : vector<256x1024xf32>
    %sub3A_306 = arith.subf %add3A_305, %dot_general3A_302 : vector<256x1024xf32>
    %reduce_min3A_307 = arith.constant dense<0x7F800000> : vector<1024xf32>
    %reduce_min3A_308 = vector.multi_reduction <minimumf>, %sub3A_306, %reduce_min3A_307 [0] : vector<256x1024xf32> to vector<1024xf32>
    %broadcast_in_dim3A_309 = vector.shape_cast %reduce_min3A_308 : vector<1024xf32> to vector<1x1024xf32>
    %eq3A_310 = vector.broadcast %broadcast_in_dim3A_309 : vector<1x1024xf32> to vector<256x1024xf32>
    %eq3A_311 = arith.cmpf oeq, %sub3A_306, %eq3A_310 : vector<256x1024xf32>
    %add3A_312 = arith.constant 2560 : i32
    %add3A_313 = vector.broadcast %add3A_312 : i32 to vector<256x1024xi32>
    %add3A_314 = arith.addi %iota3A, %add3A_313 : vector<256x1024xi32>
    %jit3A_315 = arith.constant 2147483647 : i32
    %broadcast_in_dim3A_316 = vector.broadcast %jit3A_315 : i32 to vector<256x1024xi32>
    %select_n3A_317 = arith.select %eq3A_311, %add3A_314, %broadcast_in_dim3A_316 : vector<256x1024xi1>, vector<256x1024xi32>
    %reduce_min3A_318 = arith.constant dense<2147483647> : vector<1024xi32>
    %reduce_min3A_319 = vector.multi_reduction <minsi>, %select_n3A_317, %reduce_min3A_318 [0] : vector<256x1024xi32> to vector<1024xi32>
    %broadcast_in_dim3A_320 = vector.shape_cast %reduce_min3A_319 : vector<1024xi32> to vector<1x1024xi32>
    %lt3A_321 = arith.cmpf olt, %broadcast_in_dim3A_309, %select_n3A_293 : vector<1x1024xf32>
    %select_n3A_322 = arith.select %lt3A_321, %broadcast_in_dim3A_309, %select_n3A_293 : vector<1x1024xi1>, vector<1x1024xf32>
    %select_n3A_323 = arith.select %lt3A_321, %broadcast_in_dim3A_320, %select_n3A_294 : vector<1x1024xi1>, vector<1x1024xi32>
    %get3A_324 = arith.constant 2816 : index
    %get3A_325 = arith.constant 0 : index
    %get3A_326 = vector.load %arg3[%get3A_324, %get3A_325] : memref<8192x32xf32, #tpu.memory_space<vmem>>, vector<256x32xf32>
    %get3A_327 = arith.constant 2816 : index
    %get3A_328 = arith.constant 0 : index
    %get3A_329 = vector.load %arg4[%get3A_327, %get3A_328] : memref<8192x1xf32, #tpu.memory_space<vmem>>, vector<256x1xf32>
    %dot_general3A_330 = arith.constant dense<0.000000e+00> : vector<256x1024xf32>
    %dot_general3A_331 = tpu.matmul %get3A_326, %convert_element_type3A, %dot_general3A_330 {dimension_numbers = #tpu.dot_dimension_numbers<[1], [0], [0], [1], [0, 0, 1, 1], [], []>, transpose_lhs_hint = false} : vector<256x32xf32>, vector<32x1024xbf16>, vector<256x1024xf32> -> vector<256x1024xf32>
    %add3A_332 = vector.broadcast %get3A_8 : vector<1x1024xf32> to vector<256x1024xf32>
    %add3A_333 = vector.broadcast %get3A_329 : vector<256x1xf32> to vector<256x1024xf32>
    %add3A_334 = arith.addf %add3A_332, %add3A_333 : vector<256x1024xf32>
    %sub3A_335 = arith.subf %add3A_334, %dot_general3A_331 : vector<256x1024xf32>
    %reduce_min3A_336 = arith.constant dense<0x7F800000> : vector<1024xf32>
    %reduce_min3A_337 = vector.multi_reduction <minimumf>, %sub3A_335, %reduce_min3A_336 [0] : vector<256x1024xf32> to vector<1024xf32>
    %broadcast_in_dim3A_338 = vector.shape_cast %reduce_min3A_337 : vector<1024xf32> to vector<1x1024xf32>
    %eq3A_339 = vector.broadcast %broadcast_in_dim3A_338 : vector<1x1024xf32> to vector<256x1024xf32>
    %eq3A_340 = arith.cmpf oeq, %sub3A_335, %eq3A_339 : vector<256x1024xf32>
    %add3A_341 = arith.constant 2816 : i32
    %add3A_342 = vector.broadcast %add3A_341 : i32 to vector<256x1024xi32>
    %add3A_343 = arith.addi %iota3A, %add3A_342 : vector<256x1024xi32>
    %jit3A_344 = arith.constant 2147483647 : i32
    %broadcast_in_dim3A_345 = vector.broadcast %jit3A_344 : i32 to vector<256x1024xi32>
    %select_n3A_346 = arith.select %eq3A_340, %add3A_343, %broadcast_in_dim3A_345 : vector<256x1024xi1>, vector<256x1024xi32>
    %reduce_min3A_347 = arith.constant dense<2147483647> : vector<1024xi32>
    %reduce_min3A_348 = vector.multi_reduction <minsi>, %select_n3A_346, %reduce_min3A_347 [0] : vector<256x1024xi32> to vector<1024xi32>
    %broadcast_in_dim3A_349 = vector.shape_cast %reduce_min3A_348 : vector<1024xi32> to vector<1x1024xi32>
    %lt3A_350 = arith.cmpf olt, %broadcast_in_dim3A_338, %select_n3A_322 : vector<1x1024xf32>
    %select_n3A_351 = arith.select %lt3A_350, %broadcast_in_dim3A_338, %select_n3A_322 : vector<1x1024xi1>, vector<1x1024xf32>
    %select_n3A_352 = arith.select %lt3A_350, %broadcast_in_dim3A_349, %select_n3A_323 : vector<1x1024xi1>, vector<1x1024xi32>
    %get3A_353 = arith.constant 3072 : index
    %get3A_354 = arith.constant 0 : index
    %get3A_355 = vector.load %arg3[%get3A_353, %get3A_354] : memref<8192x32xf32, #tpu.memory_space<vmem>>, vector<256x32xf32>
    %get3A_356 = arith.constant 3072 : index
    %get3A_357 = arith.constant 0 : index
    %get3A_358 = vector.load %arg4[%get3A_356, %get3A_357] : memref<8192x1xf32, #tpu.memory_space<vmem>>, vector<256x1xf32>
    %dot_general3A_359 = arith.constant dense<0.000000e+00> : vector<256x1024xf32>
    %dot_general3A_360 = tpu.matmul %get3A_355, %convert_element_type3A, %dot_general3A_359 {dimension_numbers = #tpu.dot_dimension_numbers<[1], [0], [0], [1], [0, 0, 1, 1], [], []>, transpose_lhs_hint = false} : vector<256x32xf32>, vector<32x1024xbf16>, vector<256x1024xf32> -> vector<256x1024xf32>
    %add3A_361 = vector.broadcast %get3A_8 : vector<1x1024xf32> to vector<256x1024xf32>
    %add3A_362 = vector.broadcast %get3A_358 : vector<256x1xf32> to vector<256x1024xf32>
    %add3A_363 = arith.addf %add3A_361, %add3A_362 : vector<256x1024xf32>
    %sub3A_364 = arith.subf %add3A_363, %dot_general3A_360 : vector<256x1024xf32>
    %reduce_min3A_365 = arith.constant dense<0x7F800000> : vector<1024xf32>
    %reduce_min3A_366 = vector.multi_reduction <minimumf>, %sub3A_364, %reduce_min3A_365 [0] : vector<256x1024xf32> to vector<1024xf32>
    %broadcast_in_dim3A_367 = vector.shape_cast %reduce_min3A_366 : vector<1024xf32> to vector<1x1024xf32>
    %eq3A_368 = vector.broadcast %broadcast_in_dim3A_367 : vector<1x1024xf32> to vector<256x1024xf32>
    %eq3A_369 = arith.cmpf oeq, %sub3A_364, %eq3A_368 : vector<256x1024xf32>
    %add3A_370 = arith.constant 3072 : i32
    %add3A_371 = vector.broadcast %add3A_370 : i32 to vector<256x1024xi32>
    %add3A_372 = arith.addi %iota3A, %add3A_371 : vector<256x1024xi32>
    %jit3A_373 = arith.constant 2147483647 : i32
    %broadcast_in_dim3A_374 = vector.broadcast %jit3A_373 : i32 to vector<256x1024xi32>
    %select_n3A_375 = arith.select %eq3A_369, %add3A_372, %broadcast_in_dim3A_374 : vector<256x1024xi1>, vector<256x1024xi32>
    %reduce_min3A_376 = arith.constant dense<2147483647> : vector<1024xi32>
    %reduce_min3A_377 = vector.multi_reduction <minsi>, %select_n3A_375, %reduce_min3A_376 [0] : vector<256x1024xi32> to vector<1024xi32>
    %broadcast_in_dim3A_378 = vector.shape_cast %reduce_min3A_377 : vector<1024xi32> to vector<1x1024xi32>
    %lt3A_379 = arith.cmpf olt, %broadcast_in_dim3A_367, %select_n3A_351 : vector<1x1024xf32>
    %select_n3A_380 = arith.select %lt3A_379, %broadcast_in_dim3A_367, %select_n3A_351 : vector<1x1024xi1>, vector<1x1024xf32>
    %select_n3A_381 = arith.select %lt3A_379, %broadcast_in_dim3A_378, %select_n3A_352 : vector<1x1024xi1>, vector<1x1024xi32>
    %get3A_382 = arith.constant 3328 : index
    %get3A_383 = arith.constant 0 : index
    %get3A_384 = vector.load %arg3[%get3A_382, %get3A_383] : memref<8192x32xf32, #tpu.memory_space<vmem>>, vector<256x32xf32>
    %get3A_385 = arith.constant 3328 : index
    %get3A_386 = arith.constant 0 : index
    %get3A_387 = vector.load %arg4[%get3A_385, %get3A_386] : memref<8192x1xf32, #tpu.memory_space<vmem>>, vector<256x1xf32>
    %dot_general3A_388 = arith.constant dense<0.000000e+00> : vector<256x1024xf32>
    %dot_general3A_389 = tpu.matmul %get3A_384, %convert_element_type3A, %dot_general3A_388 {dimension_numbers = #tpu.dot_dimension_numbers<[1], [0], [0], [1], [0, 0, 1, 1], [], []>, transpose_lhs_hint = false} : vector<256x32xf32>, vector<32x1024xbf16>, vector<256x1024xf32> -> vector<256x1024xf32>
    %add3A_390 = vector.broadcast %get3A_8 : vector<1x1024xf32> to vector<256x1024xf32>
    %add3A_391 = vector.broadcast %get3A_387 : vector<256x1xf32> to vector<256x1024xf32>
    %add3A_392 = arith.addf %add3A_390, %add3A_391 : vector<256x1024xf32>
    %sub3A_393 = arith.subf %add3A_392, %dot_general3A_389 : vector<256x1024xf32>
    %reduce_min3A_394 = arith.constant dense<0x7F800000> : vector<1024xf32>
    %reduce_min3A_395 = vector.multi_reduction <minimumf>, %sub3A_393, %reduce_min3A_394 [0] : vector<256x1024xf32> to vector<1024xf32>
    %broadcast_in_dim3A_396 = vector.shape_cast %reduce_min3A_395 : vector<1024xf32> to vector<1x1024xf32>
    %eq3A_397 = vector.broadcast %broadcast_in_dim3A_396 : vector<1x1024xf32> to vector<256x1024xf32>
    %eq3A_398 = arith.cmpf oeq, %sub3A_393, %eq3A_397 : vector<256x1024xf32>
    %add3A_399 = arith.constant 3328 : i32
    %add3A_400 = vector.broadcast %add3A_399 : i32 to vector<256x1024xi32>
    %add3A_401 = arith.addi %iota3A, %add3A_400 : vector<256x1024xi32>
    %jit3A_402 = arith.constant 2147483647 : i32
    %broadcast_in_dim3A_403 = vector.broadcast %jit3A_402 : i32 to vector<256x1024xi32>
    %select_n3A_404 = arith.select %eq3A_398, %add3A_401, %broadcast_in_dim3A_403 : vector<256x1024xi1>, vector<256x1024xi32>
    %reduce_min3A_405 = arith.constant dense<2147483647> : vector<1024xi32>
    %reduce_min3A_406 = vector.multi_reduction <minsi>, %select_n3A_404, %reduce_min3A_405 [0] : vector<256x1024xi32> to vector<1024xi32>
    %broadcast_in_dim3A_407 = vector.shape_cast %reduce_min3A_406 : vector<1024xi32> to vector<1x1024xi32>
    %lt3A_408 = arith.cmpf olt, %broadcast_in_dim3A_396, %select_n3A_380 : vector<1x1024xf32>
    %select_n3A_409 = arith.select %lt3A_408, %broadcast_in_dim3A_396, %select_n3A_380 : vector<1x1024xi1>, vector<1x1024xf32>
    %select_n3A_410 = arith.select %lt3A_408, %broadcast_in_dim3A_407, %select_n3A_381 : vector<1x1024xi1>, vector<1x1024xi32>
    %get3A_411 = arith.constant 3584 : index
    %get3A_412 = arith.constant 0 : index
    %get3A_413 = vector.load %arg3[%get3A_411, %get3A_412] : memref<8192x32xf32, #tpu.memory_space<vmem>>, vector<256x32xf32>
    %get3A_414 = arith.constant 3584 : index
    %get3A_415 = arith.constant 0 : index
    %get3A_416 = vector.load %arg4[%get3A_414, %get3A_415] : memref<8192x1xf32, #tpu.memory_space<vmem>>, vector<256x1xf32>
    %dot_general3A_417 = arith.constant dense<0.000000e+00> : vector<256x1024xf32>
    %dot_general3A_418 = tpu.matmul %get3A_413, %convert_element_type3A, %dot_general3A_417 {dimension_numbers = #tpu.dot_dimension_numbers<[1], [0], [0], [1], [0, 0, 1, 1], [], []>, transpose_lhs_hint = false} : vector<256x32xf32>, vector<32x1024xbf16>, vector<256x1024xf32> -> vector<256x1024xf32>
    %add3A_419 = vector.broadcast %get3A_8 : vector<1x1024xf32> to vector<256x1024xf32>
    %add3A_420 = vector.broadcast %get3A_416 : vector<256x1xf32> to vector<256x1024xf32>
    %add3A_421 = arith.addf %add3A_419, %add3A_420 : vector<256x1024xf32>
    %sub3A_422 = arith.subf %add3A_421, %dot_general3A_418 : vector<256x1024xf32>
    %reduce_min3A_423 = arith.constant dense<0x7F800000> : vector<1024xf32>
    %reduce_min3A_424 = vector.multi_reduction <minimumf>, %sub3A_422, %reduce_min3A_423 [0] : vector<256x1024xf32> to vector<1024xf32>
    %broadcast_in_dim3A_425 = vector.shape_cast %reduce_min3A_424 : vector<1024xf32> to vector<1x1024xf32>
    %eq3A_426 = vector.broadcast %broadcast_in_dim3A_425 : vector<1x1024xf32> to vector<256x1024xf32>
    %eq3A_427 = arith.cmpf oeq, %sub3A_422, %eq3A_426 : vector<256x1024xf32>
    %add3A_428 = arith.constant 3584 : i32
    %add3A_429 = vector.broadcast %add3A_428 : i32 to vector<256x1024xi32>
    %add3A_430 = arith.addi %iota3A, %add3A_429 : vector<256x1024xi32>
    %jit3A_431 = arith.constant 2147483647 : i32
    %broadcast_in_dim3A_432 = vector.broadcast %jit3A_431 : i32 to vector<256x1024xi32>
    %select_n3A_433 = arith.select %eq3A_427, %add3A_430, %broadcast_in_dim3A_432 : vector<256x1024xi1>, vector<256x1024xi32>
    %reduce_min3A_434 = arith.constant dense<2147483647> : vector<1024xi32>
    %reduce_min3A_435 = vector.multi_reduction <minsi>, %select_n3A_433, %reduce_min3A_434 [0] : vector<256x1024xi32> to vector<1024xi32>
    %broadcast_in_dim3A_436 = vector.shape_cast %reduce_min3A_435 : vector<1024xi32> to vector<1x1024xi32>
    %lt3A_437 = arith.cmpf olt, %broadcast_in_dim3A_425, %select_n3A_409 : vector<1x1024xf32>
    %select_n3A_438 = arith.select %lt3A_437, %broadcast_in_dim3A_425, %select_n3A_409 : vector<1x1024xi1>, vector<1x1024xf32>
    %select_n3A_439 = arith.select %lt3A_437, %broadcast_in_dim3A_436, %select_n3A_410 : vector<1x1024xi1>, vector<1x1024xi32>
    %get3A_440 = arith.constant 3840 : index
    %get3A_441 = arith.constant 0 : index
    %get3A_442 = vector.load %arg3[%get3A_440, %get3A_441] : memref<8192x32xf32, #tpu.memory_space<vmem>>, vector<256x32xf32>
    %get3A_443 = arith.constant 3840 : index
    %get3A_444 = arith.constant 0 : index
    %get3A_445 = vector.load %arg4[%get3A_443, %get3A_444] : memref<8192x1xf32, #tpu.memory_space<vmem>>, vector<256x1xf32>
    %dot_general3A_446 = arith.constant dense<0.000000e+00> : vector<256x1024xf32>
    %dot_general3A_447 = tpu.matmul %get3A_442, %convert_element_type3A, %dot_general3A_446 {dimension_numbers = #tpu.dot_dimension_numbers<[1], [0], [0], [1], [0, 0, 1, 1], [], []>, transpose_lhs_hint = false} : vector<256x32xf32>, vector<32x1024xbf16>, vector<256x1024xf32> -> vector<256x1024xf32>
    %add3A_448 = vector.broadcast %get3A_8 : vector<1x1024xf32> to vector<256x1024xf32>
    %add3A_449 = vector.broadcast %get3A_445 : vector<256x1xf32> to vector<256x1024xf32>
    %add3A_450 = arith.addf %add3A_448, %add3A_449 : vector<256x1024xf32>
    %sub3A_451 = arith.subf %add3A_450, %dot_general3A_447 : vector<256x1024xf32>
    %reduce_min3A_452 = arith.constant dense<0x7F800000> : vector<1024xf32>
    %reduce_min3A_453 = vector.multi_reduction <minimumf>, %sub3A_451, %reduce_min3A_452 [0] : vector<256x1024xf32> to vector<1024xf32>
    %broadcast_in_dim3A_454 = vector.shape_cast %reduce_min3A_453 : vector<1024xf32> to vector<1x1024xf32>
    %eq3A_455 = vector.broadcast %broadcast_in_dim3A_454 : vector<1x1024xf32> to vector<256x1024xf32>
    %eq3A_456 = arith.cmpf oeq, %sub3A_451, %eq3A_455 : vector<256x1024xf32>
    %add3A_457 = arith.constant 3840 : i32
    %add3A_458 = vector.broadcast %add3A_457 : i32 to vector<256x1024xi32>
    %add3A_459 = arith.addi %iota3A, %add3A_458 : vector<256x1024xi32>
    %jit3A_460 = arith.constant 2147483647 : i32
    %broadcast_in_dim3A_461 = vector.broadcast %jit3A_460 : i32 to vector<256x1024xi32>
    %select_n3A_462 = arith.select %eq3A_456, %add3A_459, %broadcast_in_dim3A_461 : vector<256x1024xi1>, vector<256x1024xi32>
    %reduce_min3A_463 = arith.constant dense<2147483647> : vector<1024xi32>
    %reduce_min3A_464 = vector.multi_reduction <minsi>, %select_n3A_462, %reduce_min3A_463 [0] : vector<256x1024xi32> to vector<1024xi32>
    %broadcast_in_dim3A_465 = vector.shape_cast %reduce_min3A_464 : vector<1024xi32> to vector<1x1024xi32>
    %lt3A_466 = arith.cmpf olt, %broadcast_in_dim3A_454, %select_n3A_438 : vector<1x1024xf32>
    %select_n3A_467 = arith.select %lt3A_466, %broadcast_in_dim3A_454, %select_n3A_438 : vector<1x1024xi1>, vector<1x1024xf32>
    %select_n3A_468 = arith.select %lt3A_466, %broadcast_in_dim3A_465, %select_n3A_439 : vector<1x1024xi1>, vector<1x1024xi32>
    %lt3A_469 = arith.cmpf olt, %select_n3A_467, %select_n3A_238 : vector<1x1024xf32>
    %eq3A_470 = arith.cmpf oeq, %select_n3A_467, %select_n3A_238 : vector<1x1024xf32>
    %lt3A_471 = arith.cmpi slt, %select_n3A_468, %select_n3A_239 : vector<1x1024xi32>
    %and3A_472 = arith.andi %eq3A_470, %lt3A_471 : vector<1x1024xi1>
    %or3A_473 = arith.ori %lt3A_469, %and3A_472 : vector<1x1024xi1>
    %convert_element_type3A_474 = arith.truncf %select_n3A_467 : vector<1x1024xf32> to vector<1x1024xbf16>
    %convert_element_type3A_475 = arith.extf %convert_element_type3A_474 : vector<1x1024xbf16> to vector<1x1024xf32>
    %select_n3A_476 = arith.select %or3A_473, %convert_element_type3A_475, %select_n3A_238 : vector<1x1024xi1>, vector<1x1024xf32>
    %select_n3A_477 = arith.select %or3A_473, %select_n3A_468, %select_n3A_239 : vector<1x1024xi1>, vector<1x1024xi32>
    %get3A_478 = arith.constant 4096 : index
    %get3A_479 = arith.constant 0 : index
    %get3A_480 = vector.load %arg3[%get3A_478, %get3A_479] : memref<8192x32xf32, #tpu.memory_space<vmem>>, vector<256x32xf32>
    %get3A_481 = arith.constant 4096 : index
    %get3A_482 = arith.constant 0 : index
    %get3A_483 = vector.load %arg4[%get3A_481, %get3A_482] : memref<8192x1xf32, #tpu.memory_space<vmem>>, vector<256x1xf32>
    %dot_general3A_484 = arith.constant dense<0.000000e+00> : vector<256x1024xf32>
    %dot_general3A_485 = tpu.matmul %get3A_480, %convert_element_type3A, %dot_general3A_484 {dimension_numbers = #tpu.dot_dimension_numbers<[1], [0], [0], [1], [0, 0, 1, 1], [], []>, transpose_lhs_hint = false} : vector<256x32xf32>, vector<32x1024xbf16>, vector<256x1024xf32> -> vector<256x1024xf32>
    %add3A_486 = vector.broadcast %get3A_8 : vector<1x1024xf32> to vector<256x1024xf32>
    %add3A_487 = vector.broadcast %get3A_483 : vector<256x1xf32> to vector<256x1024xf32>
    %add3A_488 = arith.addf %add3A_486, %add3A_487 : vector<256x1024xf32>
    %sub3A_489 = arith.subf %add3A_488, %dot_general3A_485 : vector<256x1024xf32>
    %reduce_min3A_490 = arith.constant dense<0x7F800000> : vector<1024xf32>
    %reduce_min3A_491 = vector.multi_reduction <minimumf>, %sub3A_489, %reduce_min3A_490 [0] : vector<256x1024xf32> to vector<1024xf32>
    %broadcast_in_dim3A_492 = vector.shape_cast %reduce_min3A_491 : vector<1024xf32> to vector<1x1024xf32>
    %eq3A_493 = vector.broadcast %broadcast_in_dim3A_492 : vector<1x1024xf32> to vector<256x1024xf32>
    %eq3A_494 = arith.cmpf oeq, %sub3A_489, %eq3A_493 : vector<256x1024xf32>
    %add3A_495 = arith.constant 4096 : i32
    %add3A_496 = vector.broadcast %add3A_495 : i32 to vector<256x1024xi32>
    %add3A_497 = arith.addi %iota3A, %add3A_496 : vector<256x1024xi32>
    %jit3A_498 = arith.constant 2147483647 : i32
    %broadcast_in_dim3A_499 = vector.broadcast %jit3A_498 : i32 to vector<256x1024xi32>
    %select_n3A_500 = arith.select %eq3A_494, %add3A_497, %broadcast_in_dim3A_499 : vector<256x1024xi1>, vector<256x1024xi32>
    %reduce_min3A_501 = arith.constant dense<2147483647> : vector<1024xi32>
    %reduce_min3A_502 = vector.multi_reduction <minsi>, %select_n3A_500, %reduce_min3A_501 [0] : vector<256x1024xi32> to vector<1024xi32>
    %broadcast_in_dim3A_503 = vector.shape_cast %reduce_min3A_502 : vector<1024xi32> to vector<1x1024xi32>
    %get3A_504 = arith.constant 4352 : index
    %get3A_505 = arith.constant 0 : index
    %get3A_506 = vector.load %arg3[%get3A_504, %get3A_505] : memref<8192x32xf32, #tpu.memory_space<vmem>>, vector<256x32xf32>
    %get3A_507 = arith.constant 4352 : index
    %get3A_508 = arith.constant 0 : index
    %get3A_509 = vector.load %arg4[%get3A_507, %get3A_508] : memref<8192x1xf32, #tpu.memory_space<vmem>>, vector<256x1xf32>
    %dot_general3A_510 = arith.constant dense<0.000000e+00> : vector<256x1024xf32>
    %dot_general3A_511 = tpu.matmul %get3A_506, %convert_element_type3A, %dot_general3A_510 {dimension_numbers = #tpu.dot_dimension_numbers<[1], [0], [0], [1], [0, 0, 1, 1], [], []>, transpose_lhs_hint = false} : vector<256x32xf32>, vector<32x1024xbf16>, vector<256x1024xf32> -> vector<256x1024xf32>
    %add3A_512 = vector.broadcast %get3A_8 : vector<1x1024xf32> to vector<256x1024xf32>
    %add3A_513 = vector.broadcast %get3A_509 : vector<256x1xf32> to vector<256x1024xf32>
    %add3A_514 = arith.addf %add3A_512, %add3A_513 : vector<256x1024xf32>
    %sub3A_515 = arith.subf %add3A_514, %dot_general3A_511 : vector<256x1024xf32>
    %reduce_min3A_516 = arith.constant dense<0x7F800000> : vector<1024xf32>
    %reduce_min3A_517 = vector.multi_reduction <minimumf>, %sub3A_515, %reduce_min3A_516 [0] : vector<256x1024xf32> to vector<1024xf32>
    %broadcast_in_dim3A_518 = vector.shape_cast %reduce_min3A_517 : vector<1024xf32> to vector<1x1024xf32>
    %eq3A_519 = vector.broadcast %broadcast_in_dim3A_518 : vector<1x1024xf32> to vector<256x1024xf32>
    %eq3A_520 = arith.cmpf oeq, %sub3A_515, %eq3A_519 : vector<256x1024xf32>
    %add3A_521 = arith.constant 4352 : i32
    %add3A_522 = vector.broadcast %add3A_521 : i32 to vector<256x1024xi32>
    %add3A_523 = arith.addi %iota3A, %add3A_522 : vector<256x1024xi32>
    %jit3A_524 = arith.constant 2147483647 : i32
    %broadcast_in_dim3A_525 = vector.broadcast %jit3A_524 : i32 to vector<256x1024xi32>
    %select_n3A_526 = arith.select %eq3A_520, %add3A_523, %broadcast_in_dim3A_525 : vector<256x1024xi1>, vector<256x1024xi32>
    %reduce_min3A_527 = arith.constant dense<2147483647> : vector<1024xi32>
    %reduce_min3A_528 = vector.multi_reduction <minsi>, %select_n3A_526, %reduce_min3A_527 [0] : vector<256x1024xi32> to vector<1024xi32>
    %broadcast_in_dim3A_529 = vector.shape_cast %reduce_min3A_528 : vector<1024xi32> to vector<1x1024xi32>
    %lt3A_530 = arith.cmpf olt, %broadcast_in_dim3A_518, %broadcast_in_dim3A_492 : vector<1x1024xf32>
    %select_n3A_531 = arith.select %lt3A_530, %broadcast_in_dim3A_518, %broadcast_in_dim3A_492 : vector<1x1024xi1>, vector<1x1024xf32>
    %select_n3A_532 = arith.select %lt3A_530, %broadcast_in_dim3A_529, %broadcast_in_dim3A_503 : vector<1x1024xi1>, vector<1x1024xi32>
    %get3A_533 = arith.constant 4608 : index
    %get3A_534 = arith.constant 0 : index
    %get3A_535 = vector.load %arg3[%get3A_533, %get3A_534] : memref<8192x32xf32, #tpu.memory_space<vmem>>, vector<256x32xf32>
    %get3A_536 = arith.constant 4608 : index
    %get3A_537 = arith.constant 0 : index
    %get3A_538 = vector.load %arg4[%get3A_536, %get3A_537] : memref<8192x1xf32, #tpu.memory_space<vmem>>, vector<256x1xf32>
    %dot_general3A_539 = arith.constant dense<0.000000e+00> : vector<256x1024xf32>
    %dot_general3A_540 = tpu.matmul %get3A_535, %convert_element_type3A, %dot_general3A_539 {dimension_numbers = #tpu.dot_dimension_numbers<[1], [0], [0], [1], [0, 0, 1, 1], [], []>, transpose_lhs_hint = false} : vector<256x32xf32>, vector<32x1024xbf16>, vector<256x1024xf32> -> vector<256x1024xf32>
    %add3A_541 = vector.broadcast %get3A_8 : vector<1x1024xf32> to vector<256x1024xf32>
    %add3A_542 = vector.broadcast %get3A_538 : vector<256x1xf32> to vector<256x1024xf32>
    %add3A_543 = arith.addf %add3A_541, %add3A_542 : vector<256x1024xf32>
    %sub3A_544 = arith.subf %add3A_543, %dot_general3A_540 : vector<256x1024xf32>
    %reduce_min3A_545 = arith.constant dense<0x7F800000> : vector<1024xf32>
    %reduce_min3A_546 = vector.multi_reduction <minimumf>, %sub3A_544, %reduce_min3A_545 [0] : vector<256x1024xf32> to vector<1024xf32>
    %broadcast_in_dim3A_547 = vector.shape_cast %reduce_min3A_546 : vector<1024xf32> to vector<1x1024xf32>
    %eq3A_548 = vector.broadcast %broadcast_in_dim3A_547 : vector<1x1024xf32> to vector<256x1024xf32>
    %eq3A_549 = arith.cmpf oeq, %sub3A_544, %eq3A_548 : vector<256x1024xf32>
    %add3A_550 = arith.constant 4608 : i32
    %add3A_551 = vector.broadcast %add3A_550 : i32 to vector<256x1024xi32>
    %add3A_552 = arith.addi %iota3A, %add3A_551 : vector<256x1024xi32>
    %jit3A_553 = arith.constant 2147483647 : i32
    %broadcast_in_dim3A_554 = vector.broadcast %jit3A_553 : i32 to vector<256x1024xi32>
    %select_n3A_555 = arith.select %eq3A_549, %add3A_552, %broadcast_in_dim3A_554 : vector<256x1024xi1>, vector<256x1024xi32>
    %reduce_min3A_556 = arith.constant dense<2147483647> : vector<1024xi32>
    %reduce_min3A_557 = vector.multi_reduction <minsi>, %select_n3A_555, %reduce_min3A_556 [0] : vector<256x1024xi32> to vector<1024xi32>
    %broadcast_in_dim3A_558 = vector.shape_cast %reduce_min3A_557 : vector<1024xi32> to vector<1x1024xi32>
    %lt3A_559 = arith.cmpf olt, %broadcast_in_dim3A_547, %select_n3A_531 : vector<1x1024xf32>
    %select_n3A_560 = arith.select %lt3A_559, %broadcast_in_dim3A_547, %select_n3A_531 : vector<1x1024xi1>, vector<1x1024xf32>
    %select_n3A_561 = arith.select %lt3A_559, %broadcast_in_dim3A_558, %select_n3A_532 : vector<1x1024xi1>, vector<1x1024xi32>
    %get3A_562 = arith.constant 4864 : index
    %get3A_563 = arith.constant 0 : index
    %get3A_564 = vector.load %arg3[%get3A_562, %get3A_563] : memref<8192x32xf32, #tpu.memory_space<vmem>>, vector<256x32xf32>
    %get3A_565 = arith.constant 4864 : index
    %get3A_566 = arith.constant 0 : index
    %get3A_567 = vector.load %arg4[%get3A_565, %get3A_566] : memref<8192x1xf32, #tpu.memory_space<vmem>>, vector<256x1xf32>
    %dot_general3A_568 = arith.constant dense<0.000000e+00> : vector<256x1024xf32>
    %dot_general3A_569 = tpu.matmul %get3A_564, %convert_element_type3A, %dot_general3A_568 {dimension_numbers = #tpu.dot_dimension_numbers<[1], [0], [0], [1], [0, 0, 1, 1], [], []>, transpose_lhs_hint = false} : vector<256x32xf32>, vector<32x1024xbf16>, vector<256x1024xf32> -> vector<256x1024xf32>
    %add3A_570 = vector.broadcast %get3A_8 : vector<1x1024xf32> to vector<256x1024xf32>
    %add3A_571 = vector.broadcast %get3A_567 : vector<256x1xf32> to vector<256x1024xf32>
    %add3A_572 = arith.addf %add3A_570, %add3A_571 : vector<256x1024xf32>
    %sub3A_573 = arith.subf %add3A_572, %dot_general3A_569 : vector<256x1024xf32>
    %reduce_min3A_574 = arith.constant dense<0x7F800000> : vector<1024xf32>
    %reduce_min3A_575 = vector.multi_reduction <minimumf>, %sub3A_573, %reduce_min3A_574 [0] : vector<256x1024xf32> to vector<1024xf32>
    %broadcast_in_dim3A_576 = vector.shape_cast %reduce_min3A_575 : vector<1024xf32> to vector<1x1024xf32>
    %eq3A_577 = vector.broadcast %broadcast_in_dim3A_576 : vector<1x1024xf32> to vector<256x1024xf32>
    %eq3A_578 = arith.cmpf oeq, %sub3A_573, %eq3A_577 : vector<256x1024xf32>
    %add3A_579 = arith.constant 4864 : i32
    %add3A_580 = vector.broadcast %add3A_579 : i32 to vector<256x1024xi32>
    %add3A_581 = arith.addi %iota3A, %add3A_580 : vector<256x1024xi32>
    %jit3A_582 = arith.constant 2147483647 : i32
    %broadcast_in_dim3A_583 = vector.broadcast %jit3A_582 : i32 to vector<256x1024xi32>
    %select_n3A_584 = arith.select %eq3A_578, %add3A_581, %broadcast_in_dim3A_583 : vector<256x1024xi1>, vector<256x1024xi32>
    %reduce_min3A_585 = arith.constant dense<2147483647> : vector<1024xi32>
    %reduce_min3A_586 = vector.multi_reduction <minsi>, %select_n3A_584, %reduce_min3A_585 [0] : vector<256x1024xi32> to vector<1024xi32>
    %broadcast_in_dim3A_587 = vector.shape_cast %reduce_min3A_586 : vector<1024xi32> to vector<1x1024xi32>
    %lt3A_588 = arith.cmpf olt, %broadcast_in_dim3A_576, %select_n3A_560 : vector<1x1024xf32>
    %select_n3A_589 = arith.select %lt3A_588, %broadcast_in_dim3A_576, %select_n3A_560 : vector<1x1024xi1>, vector<1x1024xf32>
    %select_n3A_590 = arith.select %lt3A_588, %broadcast_in_dim3A_587, %select_n3A_561 : vector<1x1024xi1>, vector<1x1024xi32>
    %get3A_591 = arith.constant 5120 : index
    %get3A_592 = arith.constant 0 : index
    %get3A_593 = vector.load %arg3[%get3A_591, %get3A_592] : memref<8192x32xf32, #tpu.memory_space<vmem>>, vector<256x32xf32>
    %get3A_594 = arith.constant 5120 : index
    %get3A_595 = arith.constant 0 : index
    %get3A_596 = vector.load %arg4[%get3A_594, %get3A_595] : memref<8192x1xf32, #tpu.memory_space<vmem>>, vector<256x1xf32>
    %dot_general3A_597 = arith.constant dense<0.000000e+00> : vector<256x1024xf32>
    %dot_general3A_598 = tpu.matmul %get3A_593, %convert_element_type3A, %dot_general3A_597 {dimension_numbers = #tpu.dot_dimension_numbers<[1], [0], [0], [1], [0, 0, 1, 1], [], []>, transpose_lhs_hint = false} : vector<256x32xf32>, vector<32x1024xbf16>, vector<256x1024xf32> -> vector<256x1024xf32>
    %add3A_599 = vector.broadcast %get3A_8 : vector<1x1024xf32> to vector<256x1024xf32>
    %add3A_600 = vector.broadcast %get3A_596 : vector<256x1xf32> to vector<256x1024xf32>
    %add3A_601 = arith.addf %add3A_599, %add3A_600 : vector<256x1024xf32>
    %sub3A_602 = arith.subf %add3A_601, %dot_general3A_598 : vector<256x1024xf32>
    %reduce_min3A_603 = arith.constant dense<0x7F800000> : vector<1024xf32>
    %reduce_min3A_604 = vector.multi_reduction <minimumf>, %sub3A_602, %reduce_min3A_603 [0] : vector<256x1024xf32> to vector<1024xf32>
    %broadcast_in_dim3A_605 = vector.shape_cast %reduce_min3A_604 : vector<1024xf32> to vector<1x1024xf32>
    %eq3A_606 = vector.broadcast %broadcast_in_dim3A_605 : vector<1x1024xf32> to vector<256x1024xf32>
    %eq3A_607 = arith.cmpf oeq, %sub3A_602, %eq3A_606 : vector<256x1024xf32>
    %add3A_608 = arith.constant 5120 : i32
    %add3A_609 = vector.broadcast %add3A_608 : i32 to vector<256x1024xi32>
    %add3A_610 = arith.addi %iota3A, %add3A_609 : vector<256x1024xi32>
    %jit3A_611 = arith.constant 2147483647 : i32
    %broadcast_in_dim3A_612 = vector.broadcast %jit3A_611 : i32 to vector<256x1024xi32>
    %select_n3A_613 = arith.select %eq3A_607, %add3A_610, %broadcast_in_dim3A_612 : vector<256x1024xi1>, vector<256x1024xi32>
    %reduce_min3A_614 = arith.constant dense<2147483647> : vector<1024xi32>
    %reduce_min3A_615 = vector.multi_reduction <minsi>, %select_n3A_613, %reduce_min3A_614 [0] : vector<256x1024xi32> to vector<1024xi32>
    %broadcast_in_dim3A_616 = vector.shape_cast %reduce_min3A_615 : vector<1024xi32> to vector<1x1024xi32>
    %lt3A_617 = arith.cmpf olt, %broadcast_in_dim3A_605, %select_n3A_589 : vector<1x1024xf32>
    %select_n3A_618 = arith.select %lt3A_617, %broadcast_in_dim3A_605, %select_n3A_589 : vector<1x1024xi1>, vector<1x1024xf32>
    %select_n3A_619 = arith.select %lt3A_617, %broadcast_in_dim3A_616, %select_n3A_590 : vector<1x1024xi1>, vector<1x1024xi32>
    %get3A_620 = arith.constant 5376 : index
    %get3A_621 = arith.constant 0 : index
    %get3A_622 = vector.load %arg3[%get3A_620, %get3A_621] : memref<8192x32xf32, #tpu.memory_space<vmem>>, vector<256x32xf32>
    %get3A_623 = arith.constant 5376 : index
    %get3A_624 = arith.constant 0 : index
    %get3A_625 = vector.load %arg4[%get3A_623, %get3A_624] : memref<8192x1xf32, #tpu.memory_space<vmem>>, vector<256x1xf32>
    %dot_general3A_626 = arith.constant dense<0.000000e+00> : vector<256x1024xf32>
    %dot_general3A_627 = tpu.matmul %get3A_622, %convert_element_type3A, %dot_general3A_626 {dimension_numbers = #tpu.dot_dimension_numbers<[1], [0], [0], [1], [0, 0, 1, 1], [], []>, transpose_lhs_hint = false} : vector<256x32xf32>, vector<32x1024xbf16>, vector<256x1024xf32> -> vector<256x1024xf32>
    %add3A_628 = vector.broadcast %get3A_8 : vector<1x1024xf32> to vector<256x1024xf32>
    %add3A_629 = vector.broadcast %get3A_625 : vector<256x1xf32> to vector<256x1024xf32>
    %add3A_630 = arith.addf %add3A_628, %add3A_629 : vector<256x1024xf32>
    %sub3A_631 = arith.subf %add3A_630, %dot_general3A_627 : vector<256x1024xf32>
    %reduce_min3A_632 = arith.constant dense<0x7F800000> : vector<1024xf32>
    %reduce_min3A_633 = vector.multi_reduction <minimumf>, %sub3A_631, %reduce_min3A_632 [0] : vector<256x1024xf32> to vector<1024xf32>
    %broadcast_in_dim3A_634 = vector.shape_cast %reduce_min3A_633 : vector<1024xf32> to vector<1x1024xf32>
    %eq3A_635 = vector.broadcast %broadcast_in_dim3A_634 : vector<1x1024xf32> to vector<256x1024xf32>
    %eq3A_636 = arith.cmpf oeq, %sub3A_631, %eq3A_635 : vector<256x1024xf32>
    %add3A_637 = arith.constant 5376 : i32
    %add3A_638 = vector.broadcast %add3A_637 : i32 to vector<256x1024xi32>
    %add3A_639 = arith.addi %iota3A, %add3A_638 : vector<256x1024xi32>
    %jit3A_640 = arith.constant 2147483647 : i32
    %broadcast_in_dim3A_641 = vector.broadcast %jit3A_640 : i32 to vector<256x1024xi32>
    %select_n3A_642 = arith.select %eq3A_636, %add3A_639, %broadcast_in_dim3A_641 : vector<256x1024xi1>, vector<256x1024xi32>
    %reduce_min3A_643 = arith.constant dense<2147483647> : vector<1024xi32>
    %reduce_min3A_644 = vector.multi_reduction <minsi>, %select_n3A_642, %reduce_min3A_643 [0] : vector<256x1024xi32> to vector<1024xi32>
    %broadcast_in_dim3A_645 = vector.shape_cast %reduce_min3A_644 : vector<1024xi32> to vector<1x1024xi32>
    %lt3A_646 = arith.cmpf olt, %broadcast_in_dim3A_634, %select_n3A_618 : vector<1x1024xf32>
    %select_n3A_647 = arith.select %lt3A_646, %broadcast_in_dim3A_634, %select_n3A_618 : vector<1x1024xi1>, vector<1x1024xf32>
    %select_n3A_648 = arith.select %lt3A_646, %broadcast_in_dim3A_645, %select_n3A_619 : vector<1x1024xi1>, vector<1x1024xi32>
    %get3A_649 = arith.constant 5632 : index
    %get3A_650 = arith.constant 0 : index
    %get3A_651 = vector.load %arg3[%get3A_649, %get3A_650] : memref<8192x32xf32, #tpu.memory_space<vmem>>, vector<256x32xf32>
    %get3A_652 = arith.constant 5632 : index
    %get3A_653 = arith.constant 0 : index
    %get3A_654 = vector.load %arg4[%get3A_652, %get3A_653] : memref<8192x1xf32, #tpu.memory_space<vmem>>, vector<256x1xf32>
    %dot_general3A_655 = arith.constant dense<0.000000e+00> : vector<256x1024xf32>
    %dot_general3A_656 = tpu.matmul %get3A_651, %convert_element_type3A, %dot_general3A_655 {dimension_numbers = #tpu.dot_dimension_numbers<[1], [0], [0], [1], [0, 0, 1, 1], [], []>, transpose_lhs_hint = false} : vector<256x32xf32>, vector<32x1024xbf16>, vector<256x1024xf32> -> vector<256x1024xf32>
    %add3A_657 = vector.broadcast %get3A_8 : vector<1x1024xf32> to vector<256x1024xf32>
    %add3A_658 = vector.broadcast %get3A_654 : vector<256x1xf32> to vector<256x1024xf32>
    %add3A_659 = arith.addf %add3A_657, %add3A_658 : vector<256x1024xf32>
    %sub3A_660 = arith.subf %add3A_659, %dot_general3A_656 : vector<256x1024xf32>
    %reduce_min3A_661 = arith.constant dense<0x7F800000> : vector<1024xf32>
    %reduce_min3A_662 = vector.multi_reduction <minimumf>, %sub3A_660, %reduce_min3A_661 [0] : vector<256x1024xf32> to vector<1024xf32>
    %broadcast_in_dim3A_663 = vector.shape_cast %reduce_min3A_662 : vector<1024xf32> to vector<1x1024xf32>
    %eq3A_664 = vector.broadcast %broadcast_in_dim3A_663 : vector<1x1024xf32> to vector<256x1024xf32>
    %eq3A_665 = arith.cmpf oeq, %sub3A_660, %eq3A_664 : vector<256x1024xf32>
    %add3A_666 = arith.constant 5632 : i32
    %add3A_667 = vector.broadcast %add3A_666 : i32 to vector<256x1024xi32>
    %add3A_668 = arith.addi %iota3A, %add3A_667 : vector<256x1024xi32>
    %jit3A_669 = arith.constant 2147483647 : i32
    %broadcast_in_dim3A_670 = vector.broadcast %jit3A_669 : i32 to vector<256x1024xi32>
    %select_n3A_671 = arith.select %eq3A_665, %add3A_668, %broadcast_in_dim3A_670 : vector<256x1024xi1>, vector<256x1024xi32>
    %reduce_min3A_672 = arith.constant dense<2147483647> : vector<1024xi32>
    %reduce_min3A_673 = vector.multi_reduction <minsi>, %select_n3A_671, %reduce_min3A_672 [0] : vector<256x1024xi32> to vector<1024xi32>
    %broadcast_in_dim3A_674 = vector.shape_cast %reduce_min3A_673 : vector<1024xi32> to vector<1x1024xi32>
    %lt3A_675 = arith.cmpf olt, %broadcast_in_dim3A_663, %select_n3A_647 : vector<1x1024xf32>
    %select_n3A_676 = arith.select %lt3A_675, %broadcast_in_dim3A_663, %select_n3A_647 : vector<1x1024xi1>, vector<1x1024xf32>
    %select_n3A_677 = arith.select %lt3A_675, %broadcast_in_dim3A_674, %select_n3A_648 : vector<1x1024xi1>, vector<1x1024xi32>
    %get3A_678 = arith.constant 5888 : index
    %get3A_679 = arith.constant 0 : index
    %get3A_680 = vector.load %arg3[%get3A_678, %get3A_679] : memref<8192x32xf32, #tpu.memory_space<vmem>>, vector<256x32xf32>
    %get3A_681 = arith.constant 5888 : index
    %get3A_682 = arith.constant 0 : index
    %get3A_683 = vector.load %arg4[%get3A_681, %get3A_682] : memref<8192x1xf32, #tpu.memory_space<vmem>>, vector<256x1xf32>
    %dot_general3A_684 = arith.constant dense<0.000000e+00> : vector<256x1024xf32>
    %dot_general3A_685 = tpu.matmul %get3A_680, %convert_element_type3A, %dot_general3A_684 {dimension_numbers = #tpu.dot_dimension_numbers<[1], [0], [0], [1], [0, 0, 1, 1], [], []>, transpose_lhs_hint = false} : vector<256x32xf32>, vector<32x1024xbf16>, vector<256x1024xf32> -> vector<256x1024xf32>
    %add3A_686 = vector.broadcast %get3A_8 : vector<1x1024xf32> to vector<256x1024xf32>
    %add3A_687 = vector.broadcast %get3A_683 : vector<256x1xf32> to vector<256x1024xf32>
    %add3A_688 = arith.addf %add3A_686, %add3A_687 : vector<256x1024xf32>
    %sub3A_689 = arith.subf %add3A_688, %dot_general3A_685 : vector<256x1024xf32>
    %reduce_min3A_690 = arith.constant dense<0x7F800000> : vector<1024xf32>
    %reduce_min3A_691 = vector.multi_reduction <minimumf>, %sub3A_689, %reduce_min3A_690 [0] : vector<256x1024xf32> to vector<1024xf32>
    %broadcast_in_dim3A_692 = vector.shape_cast %reduce_min3A_691 : vector<1024xf32> to vector<1x1024xf32>
    %eq3A_693 = vector.broadcast %broadcast_in_dim3A_692 : vector<1x1024xf32> to vector<256x1024xf32>
    %eq3A_694 = arith.cmpf oeq, %sub3A_689, %eq3A_693 : vector<256x1024xf32>
    %add3A_695 = arith.constant 5888 : i32
    %add3A_696 = vector.broadcast %add3A_695 : i32 to vector<256x1024xi32>
    %add3A_697 = arith.addi %iota3A, %add3A_696 : vector<256x1024xi32>
    %jit3A_698 = arith.constant 2147483647 : i32
    %broadcast_in_dim3A_699 = vector.broadcast %jit3A_698 : i32 to vector<256x1024xi32>
    %select_n3A_700 = arith.select %eq3A_694, %add3A_697, %broadcast_in_dim3A_699 : vector<256x1024xi1>, vector<256x1024xi32>
    %reduce_min3A_701 = arith.constant dense<2147483647> : vector<1024xi32>
    %reduce_min3A_702 = vector.multi_reduction <minsi>, %select_n3A_700, %reduce_min3A_701 [0] : vector<256x1024xi32> to vector<1024xi32>
    %broadcast_in_dim3A_703 = vector.shape_cast %reduce_min3A_702 : vector<1024xi32> to vector<1x1024xi32>
    %lt3A_704 = arith.cmpf olt, %broadcast_in_dim3A_692, %select_n3A_676 : vector<1x1024xf32>
    %select_n3A_705 = arith.select %lt3A_704, %broadcast_in_dim3A_692, %select_n3A_676 : vector<1x1024xi1>, vector<1x1024xf32>
    %select_n3A_706 = arith.select %lt3A_704, %broadcast_in_dim3A_703, %select_n3A_677 : vector<1x1024xi1>, vector<1x1024xi32>
    %lt3A_707 = arith.cmpf olt, %select_n3A_705, %select_n3A_476 : vector<1x1024xf32>
    %eq3A_708 = arith.cmpf oeq, %select_n3A_705, %select_n3A_476 : vector<1x1024xf32>
    %lt3A_709 = arith.cmpi slt, %select_n3A_706, %select_n3A_477 : vector<1x1024xi32>
    %and3A_710 = arith.andi %eq3A_708, %lt3A_709 : vector<1x1024xi1>
    %or3A_711 = arith.ori %lt3A_707, %and3A_710 : vector<1x1024xi1>
    %convert_element_type3A_712 = arith.truncf %select_n3A_705 : vector<1x1024xf32> to vector<1x1024xbf16>
    %convert_element_type3A_713 = arith.extf %convert_element_type3A_712 : vector<1x1024xbf16> to vector<1x1024xf32>
    %select_n3A_714 = arith.select %or3A_711, %convert_element_type3A_713, %select_n3A_476 : vector<1x1024xi1>, vector<1x1024xf32>
    %select_n3A_715 = arith.select %or3A_711, %select_n3A_706, %select_n3A_477 : vector<1x1024xi1>, vector<1x1024xi32>
    %get3A_716 = arith.constant 6144 : index
    %get3A_717 = arith.constant 0 : index
    %get3A_718 = vector.load %arg3[%get3A_716, %get3A_717] : memref<8192x32xf32, #tpu.memory_space<vmem>>, vector<256x32xf32>
    %get3A_719 = arith.constant 6144 : index
    %get3A_720 = arith.constant 0 : index
    %get3A_721 = vector.load %arg4[%get3A_719, %get3A_720] : memref<8192x1xf32, #tpu.memory_space<vmem>>, vector<256x1xf32>
    %dot_general3A_722 = arith.constant dense<0.000000e+00> : vector<256x1024xf32>
    %dot_general3A_723 = tpu.matmul %get3A_718, %convert_element_type3A, %dot_general3A_722 {dimension_numbers = #tpu.dot_dimension_numbers<[1], [0], [0], [1], [0, 0, 1, 1], [], []>, transpose_lhs_hint = false} : vector<256x32xf32>, vector<32x1024xbf16>, vector<256x1024xf32> -> vector<256x1024xf32>
    %add3A_724 = vector.broadcast %get3A_8 : vector<1x1024xf32> to vector<256x1024xf32>
    %add3A_725 = vector.broadcast %get3A_721 : vector<256x1xf32> to vector<256x1024xf32>
    %add3A_726 = arith.addf %add3A_724, %add3A_725 : vector<256x1024xf32>
    %sub3A_727 = arith.subf %add3A_726, %dot_general3A_723 : vector<256x1024xf32>
    %reduce_min3A_728 = arith.constant dense<0x7F800000> : vector<1024xf32>
    %reduce_min3A_729 = vector.multi_reduction <minimumf>, %sub3A_727, %reduce_min3A_728 [0] : vector<256x1024xf32> to vector<1024xf32>
    %broadcast_in_dim3A_730 = vector.shape_cast %reduce_min3A_729 : vector<1024xf32> to vector<1x1024xf32>
    %eq3A_731 = vector.broadcast %broadcast_in_dim3A_730 : vector<1x1024xf32> to vector<256x1024xf32>
    %eq3A_732 = arith.cmpf oeq, %sub3A_727, %eq3A_731 : vector<256x1024xf32>
    %add3A_733 = arith.constant 6144 : i32
    %add3A_734 = vector.broadcast %add3A_733 : i32 to vector<256x1024xi32>
    %add3A_735 = arith.addi %iota3A, %add3A_734 : vector<256x1024xi32>
    %jit3A_736 = arith.constant 2147483647 : i32
    %broadcast_in_dim3A_737 = vector.broadcast %jit3A_736 : i32 to vector<256x1024xi32>
    %select_n3A_738 = arith.select %eq3A_732, %add3A_735, %broadcast_in_dim3A_737 : vector<256x1024xi1>, vector<256x1024xi32>
    %reduce_min3A_739 = arith.constant dense<2147483647> : vector<1024xi32>
    %reduce_min3A_740 = vector.multi_reduction <minsi>, %select_n3A_738, %reduce_min3A_739 [0] : vector<256x1024xi32> to vector<1024xi32>
    %broadcast_in_dim3A_741 = vector.shape_cast %reduce_min3A_740 : vector<1024xi32> to vector<1x1024xi32>
    %get3A_742 = arith.constant 6400 : index
    %get3A_743 = arith.constant 0 : index
    %get3A_744 = vector.load %arg3[%get3A_742, %get3A_743] : memref<8192x32xf32, #tpu.memory_space<vmem>>, vector<256x32xf32>
    %get3A_745 = arith.constant 6400 : index
    %get3A_746 = arith.constant 0 : index
    %get3A_747 = vector.load %arg4[%get3A_745, %get3A_746] : memref<8192x1xf32, #tpu.memory_space<vmem>>, vector<256x1xf32>
    %dot_general3A_748 = arith.constant dense<0.000000e+00> : vector<256x1024xf32>
    %dot_general3A_749 = tpu.matmul %get3A_744, %convert_element_type3A, %dot_general3A_748 {dimension_numbers = #tpu.dot_dimension_numbers<[1], [0], [0], [1], [0, 0, 1, 1], [], []>, transpose_lhs_hint = false} : vector<256x32xf32>, vector<32x1024xbf16>, vector<256x1024xf32> -> vector<256x1024xf32>
    %add3A_750 = vector.broadcast %get3A_8 : vector<1x1024xf32> to vector<256x1024xf32>
    %add3A_751 = vector.broadcast %get3A_747 : vector<256x1xf32> to vector<256x1024xf32>
    %add3A_752 = arith.addf %add3A_750, %add3A_751 : vector<256x1024xf32>
    %sub3A_753 = arith.subf %add3A_752, %dot_general3A_749 : vector<256x1024xf32>
    %reduce_min3A_754 = arith.constant dense<0x7F800000> : vector<1024xf32>
    %reduce_min3A_755 = vector.multi_reduction <minimumf>, %sub3A_753, %reduce_min3A_754 [0] : vector<256x1024xf32> to vector<1024xf32>
    %broadcast_in_dim3A_756 = vector.shape_cast %reduce_min3A_755 : vector<1024xf32> to vector<1x1024xf32>
    %eq3A_757 = vector.broadcast %broadcast_in_dim3A_756 : vector<1x1024xf32> to vector<256x1024xf32>
    %eq3A_758 = arith.cmpf oeq, %sub3A_753, %eq3A_757 : vector<256x1024xf32>
    %add3A_759 = arith.constant 6400 : i32
    %add3A_760 = vector.broadcast %add3A_759 : i32 to vector<256x1024xi32>
    %add3A_761 = arith.addi %iota3A, %add3A_760 : vector<256x1024xi32>
    %jit3A_762 = arith.constant 2147483647 : i32
    %broadcast_in_dim3A_763 = vector.broadcast %jit3A_762 : i32 to vector<256x1024xi32>
    %select_n3A_764 = arith.select %eq3A_758, %add3A_761, %broadcast_in_dim3A_763 : vector<256x1024xi1>, vector<256x1024xi32>
    %reduce_min3A_765 = arith.constant dense<2147483647> : vector<1024xi32>
    %reduce_min3A_766 = vector.multi_reduction <minsi>, %select_n3A_764, %reduce_min3A_765 [0] : vector<256x1024xi32> to vector<1024xi32>
    %broadcast_in_dim3A_767 = vector.shape_cast %reduce_min3A_766 : vector<1024xi32> to vector<1x1024xi32>
    %lt3A_768 = arith.cmpf olt, %broadcast_in_dim3A_756, %broadcast_in_dim3A_730 : vector<1x1024xf32>
    %select_n3A_769 = arith.select %lt3A_768, %broadcast_in_dim3A_756, %broadcast_in_dim3A_730 : vector<1x1024xi1>, vector<1x1024xf32>
    %select_n3A_770 = arith.select %lt3A_768, %broadcast_in_dim3A_767, %broadcast_in_dim3A_741 : vector<1x1024xi1>, vector<1x1024xi32>
    %get3A_771 = arith.constant 6656 : index
    %get3A_772 = arith.constant 0 : index
    %get3A_773 = vector.load %arg3[%get3A_771, %get3A_772] : memref<8192x32xf32, #tpu.memory_space<vmem>>, vector<256x32xf32>
    %get3A_774 = arith.constant 6656 : index
    %get3A_775 = arith.constant 0 : index
    %get3A_776 = vector.load %arg4[%get3A_774, %get3A_775] : memref<8192x1xf32, #tpu.memory_space<vmem>>, vector<256x1xf32>
    %dot_general3A_777 = arith.constant dense<0.000000e+00> : vector<256x1024xf32>
    %dot_general3A_778 = tpu.matmul %get3A_773, %convert_element_type3A, %dot_general3A_777 {dimension_numbers = #tpu.dot_dimension_numbers<[1], [0], [0], [1], [0, 0, 1, 1], [], []>, transpose_lhs_hint = false} : vector<256x32xf32>, vector<32x1024xbf16>, vector<256x1024xf32> -> vector<256x1024xf32>
    %add3A_779 = vector.broadcast %get3A_8 : vector<1x1024xf32> to vector<256x1024xf32>
    %add3A_780 = vector.broadcast %get3A_776 : vector<256x1xf32> to vector<256x1024xf32>
    %add3A_781 = arith.addf %add3A_779, %add3A_780 : vector<256x1024xf32>
    %sub3A_782 = arith.subf %add3A_781, %dot_general3A_778 : vector<256x1024xf32>
    %reduce_min3A_783 = arith.constant dense<0x7F800000> : vector<1024xf32>
    %reduce_min3A_784 = vector.multi_reduction <minimumf>, %sub3A_782, %reduce_min3A_783 [0] : vector<256x1024xf32> to vector<1024xf32>
    %broadcast_in_dim3A_785 = vector.shape_cast %reduce_min3A_784 : vector<1024xf32> to vector<1x1024xf32>
    %eq3A_786 = vector.broadcast %broadcast_in_dim3A_785 : vector<1x1024xf32> to vector<256x1024xf32>
    %eq3A_787 = arith.cmpf oeq, %sub3A_782, %eq3A_786 : vector<256x1024xf32>
    %add3A_788 = arith.constant 6656 : i32
    %add3A_789 = vector.broadcast %add3A_788 : i32 to vector<256x1024xi32>
    %add3A_790 = arith.addi %iota3A, %add3A_789 : vector<256x1024xi32>
    %jit3A_791 = arith.constant 2147483647 : i32
    %broadcast_in_dim3A_792 = vector.broadcast %jit3A_791 : i32 to vector<256x1024xi32>
    %select_n3A_793 = arith.select %eq3A_787, %add3A_790, %broadcast_in_dim3A_792 : vector<256x1024xi1>, vector<256x1024xi32>
    %reduce_min3A_794 = arith.constant dense<2147483647> : vector<1024xi32>
    %reduce_min3A_795 = vector.multi_reduction <minsi>, %select_n3A_793, %reduce_min3A_794 [0] : vector<256x1024xi32> to vector<1024xi32>
    %broadcast_in_dim3A_796 = vector.shape_cast %reduce_min3A_795 : vector<1024xi32> to vector<1x1024xi32>
    %lt3A_797 = arith.cmpf olt, %broadcast_in_dim3A_785, %select_n3A_769 : vector<1x1024xf32>
    %select_n3A_798 = arith.select %lt3A_797, %broadcast_in_dim3A_785, %select_n3A_769 : vector<1x1024xi1>, vector<1x1024xf32>
    %select_n3A_799 = arith.select %lt3A_797, %broadcast_in_dim3A_796, %select_n3A_770 : vector<1x1024xi1>, vector<1x1024xi32>
    %get3A_800 = arith.constant 6912 : index
    %get3A_801 = arith.constant 0 : index
    %get3A_802 = vector.load %arg3[%get3A_800, %get3A_801] : memref<8192x32xf32, #tpu.memory_space<vmem>>, vector<256x32xf32>
    %get3A_803 = arith.constant 6912 : index
    %get3A_804 = arith.constant 0 : index
    %get3A_805 = vector.load %arg4[%get3A_803, %get3A_804] : memref<8192x1xf32, #tpu.memory_space<vmem>>, vector<256x1xf32>
    %dot_general3A_806 = arith.constant dense<0.000000e+00> : vector<256x1024xf32>
    %dot_general3A_807 = tpu.matmul %get3A_802, %convert_element_type3A, %dot_general3A_806 {dimension_numbers = #tpu.dot_dimension_numbers<[1], [0], [0], [1], [0, 0, 1, 1], [], []>, transpose_lhs_hint = false} : vector<256x32xf32>, vector<32x1024xbf16>, vector<256x1024xf32> -> vector<256x1024xf32>
    %add3A_808 = vector.broadcast %get3A_8 : vector<1x1024xf32> to vector<256x1024xf32>
    %add3A_809 = vector.broadcast %get3A_805 : vector<256x1xf32> to vector<256x1024xf32>
    %add3A_810 = arith.addf %add3A_808, %add3A_809 : vector<256x1024xf32>
    %sub3A_811 = arith.subf %add3A_810, %dot_general3A_807 : vector<256x1024xf32>
    %reduce_min3A_812 = arith.constant dense<0x7F800000> : vector<1024xf32>
    %reduce_min3A_813 = vector.multi_reduction <minimumf>, %sub3A_811, %reduce_min3A_812 [0] : vector<256x1024xf32> to vector<1024xf32>
    %broadcast_in_dim3A_814 = vector.shape_cast %reduce_min3A_813 : vector<1024xf32> to vector<1x1024xf32>
    %eq3A_815 = vector.broadcast %broadcast_in_dim3A_814 : vector<1x1024xf32> to vector<256x1024xf32>
    %eq3A_816 = arith.cmpf oeq, %sub3A_811, %eq3A_815 : vector<256x1024xf32>
    %add3A_817 = arith.constant 6912 : i32
    %add3A_818 = vector.broadcast %add3A_817 : i32 to vector<256x1024xi32>
    %add3A_819 = arith.addi %iota3A, %add3A_818 : vector<256x1024xi32>
    %jit3A_820 = arith.constant 2147483647 : i32
    %broadcast_in_dim3A_821 = vector.broadcast %jit3A_820 : i32 to vector<256x1024xi32>
    %select_n3A_822 = arith.select %eq3A_816, %add3A_819, %broadcast_in_dim3A_821 : vector<256x1024xi1>, vector<256x1024xi32>
    %reduce_min3A_823 = arith.constant dense<2147483647> : vector<1024xi32>
    %reduce_min3A_824 = vector.multi_reduction <minsi>, %select_n3A_822, %reduce_min3A_823 [0] : vector<256x1024xi32> to vector<1024xi32>
    %broadcast_in_dim3A_825 = vector.shape_cast %reduce_min3A_824 : vector<1024xi32> to vector<1x1024xi32>
    %lt3A_826 = arith.cmpf olt, %broadcast_in_dim3A_814, %select_n3A_798 : vector<1x1024xf32>
    %select_n3A_827 = arith.select %lt3A_826, %broadcast_in_dim3A_814, %select_n3A_798 : vector<1x1024xi1>, vector<1x1024xf32>
    %select_n3A_828 = arith.select %lt3A_826, %broadcast_in_dim3A_825, %select_n3A_799 : vector<1x1024xi1>, vector<1x1024xi32>
    %get3A_829 = arith.constant 7168 : index
    %get3A_830 = arith.constant 0 : index
    %get3A_831 = vector.load %arg3[%get3A_829, %get3A_830] : memref<8192x32xf32, #tpu.memory_space<vmem>>, vector<256x32xf32>
    %get3A_832 = arith.constant 7168 : index
    %get3A_833 = arith.constant 0 : index
    %get3A_834 = vector.load %arg4[%get3A_832, %get3A_833] : memref<8192x1xf32, #tpu.memory_space<vmem>>, vector<256x1xf32>
    %dot_general3A_835 = arith.constant dense<0.000000e+00> : vector<256x1024xf32>
    %dot_general3A_836 = tpu.matmul %get3A_831, %convert_element_type3A, %dot_general3A_835 {dimension_numbers = #tpu.dot_dimension_numbers<[1], [0], [0], [1], [0, 0, 1, 1], [], []>, transpose_lhs_hint = false} : vector<256x32xf32>, vector<32x1024xbf16>, vector<256x1024xf32> -> vector<256x1024xf32>
    %add3A_837 = vector.broadcast %get3A_8 : vector<1x1024xf32> to vector<256x1024xf32>
    %add3A_838 = vector.broadcast %get3A_834 : vector<256x1xf32> to vector<256x1024xf32>
    %add3A_839 = arith.addf %add3A_837, %add3A_838 : vector<256x1024xf32>
    %sub3A_840 = arith.subf %add3A_839, %dot_general3A_836 : vector<256x1024xf32>
    %reduce_min3A_841 = arith.constant dense<0x7F800000> : vector<1024xf32>
    %reduce_min3A_842 = vector.multi_reduction <minimumf>, %sub3A_840, %reduce_min3A_841 [0] : vector<256x1024xf32> to vector<1024xf32>
    %broadcast_in_dim3A_843 = vector.shape_cast %reduce_min3A_842 : vector<1024xf32> to vector<1x1024xf32>
    %eq3A_844 = vector.broadcast %broadcast_in_dim3A_843 : vector<1x1024xf32> to vector<256x1024xf32>
    %eq3A_845 = arith.cmpf oeq, %sub3A_840, %eq3A_844 : vector<256x1024xf32>
    %add3A_846 = arith.constant 7168 : i32
    %add3A_847 = vector.broadcast %add3A_846 : i32 to vector<256x1024xi32>
    %add3A_848 = arith.addi %iota3A, %add3A_847 : vector<256x1024xi32>
    %jit3A_849 = arith.constant 2147483647 : i32
    %broadcast_in_dim3A_850 = vector.broadcast %jit3A_849 : i32 to vector<256x1024xi32>
    %select_n3A_851 = arith.select %eq3A_845, %add3A_848, %broadcast_in_dim3A_850 : vector<256x1024xi1>, vector<256x1024xi32>
    %reduce_min3A_852 = arith.constant dense<2147483647> : vector<1024xi32>
    %reduce_min3A_853 = vector.multi_reduction <minsi>, %select_n3A_851, %reduce_min3A_852 [0] : vector<256x1024xi32> to vector<1024xi32>
    %broadcast_in_dim3A_854 = vector.shape_cast %reduce_min3A_853 : vector<1024xi32> to vector<1x1024xi32>
    %lt3A_855 = arith.cmpf olt, %broadcast_in_dim3A_843, %select_n3A_827 : vector<1x1024xf32>
    %select_n3A_856 = arith.select %lt3A_855, %broadcast_in_dim3A_843, %select_n3A_827 : vector<1x1024xi1>, vector<1x1024xf32>
    %select_n3A_857 = arith.select %lt3A_855, %broadcast_in_dim3A_854, %select_n3A_828 : vector<1x1024xi1>, vector<1x1024xi32>
    %get3A_858 = arith.constant 7424 : index
    %get3A_859 = arith.constant 0 : index
    %get3A_860 = vector.load %arg3[%get3A_858, %get3A_859] : memref<8192x32xf32, #tpu.memory_space<vmem>>, vector<256x32xf32>
    %get3A_861 = arith.constant 7424 : index
    %get3A_862 = arith.constant 0 : index
    %get3A_863 = vector.load %arg4[%get3A_861, %get3A_862] : memref<8192x1xf32, #tpu.memory_space<vmem>>, vector<256x1xf32>
    %dot_general3A_864 = arith.constant dense<0.000000e+00> : vector<256x1024xf32>
    %dot_general3A_865 = tpu.matmul %get3A_860, %convert_element_type3A, %dot_general3A_864 {dimension_numbers = #tpu.dot_dimension_numbers<[1], [0], [0], [1], [0, 0, 1, 1], [], []>, transpose_lhs_hint = false} : vector<256x32xf32>, vector<32x1024xbf16>, vector<256x1024xf32> -> vector<256x1024xf32>
    %add3A_866 = vector.broadcast %get3A_8 : vector<1x1024xf32> to vector<256x1024xf32>
    %add3A_867 = vector.broadcast %get3A_863 : vector<256x1xf32> to vector<256x1024xf32>
    %add3A_868 = arith.addf %add3A_866, %add3A_867 : vector<256x1024xf32>
    %sub3A_869 = arith.subf %add3A_868, %dot_general3A_865 : vector<256x1024xf32>
    %reduce_min3A_870 = arith.constant dense<0x7F800000> : vector<1024xf32>
    %reduce_min3A_871 = vector.multi_reduction <minimumf>, %sub3A_869, %reduce_min3A_870 [0] : vector<256x1024xf32> to vector<1024xf32>
    %broadcast_in_dim3A_872 = vector.shape_cast %reduce_min3A_871 : vector<1024xf32> to vector<1x1024xf32>
    %eq3A_873 = vector.broadcast %broadcast_in_dim3A_872 : vector<1x1024xf32> to vector<256x1024xf32>
    %eq3A_874 = arith.cmpf oeq, %sub3A_869, %eq3A_873 : vector<256x1024xf32>
    %add3A_875 = arith.constant 7424 : i32
    %add3A_876 = vector.broadcast %add3A_875 : i32 to vector<256x1024xi32>
    %add3A_877 = arith.addi %iota3A, %add3A_876 : vector<256x1024xi32>
    %jit3A_878 = arith.constant 2147483647 : i32
    %broadcast_in_dim3A_879 = vector.broadcast %jit3A_878 : i32 to vector<256x1024xi32>
    %select_n3A_880 = arith.select %eq3A_874, %add3A_877, %broadcast_in_dim3A_879 : vector<256x1024xi1>, vector<256x1024xi32>
    %reduce_min3A_881 = arith.constant dense<2147483647> : vector<1024xi32>
    %reduce_min3A_882 = vector.multi_reduction <minsi>, %select_n3A_880, %reduce_min3A_881 [0] : vector<256x1024xi32> to vector<1024xi32>
    %broadcast_in_dim3A_883 = vector.shape_cast %reduce_min3A_882 : vector<1024xi32> to vector<1x1024xi32>
    %lt3A_884 = arith.cmpf olt, %broadcast_in_dim3A_872, %select_n3A_856 : vector<1x1024xf32>
    %select_n3A_885 = arith.select %lt3A_884, %broadcast_in_dim3A_872, %select_n3A_856 : vector<1x1024xi1>, vector<1x1024xf32>
    %select_n3A_886 = arith.select %lt3A_884, %broadcast_in_dim3A_883, %select_n3A_857 : vector<1x1024xi1>, vector<1x1024xi32>
    %get3A_887 = arith.constant 7680 : index
    %get3A_888 = arith.constant 0 : index
    %get3A_889 = vector.load %arg3[%get3A_887, %get3A_888] : memref<8192x32xf32, #tpu.memory_space<vmem>>, vector<256x32xf32>
    %get3A_890 = arith.constant 7680 : index
    %get3A_891 = arith.constant 0 : index
    %get3A_892 = vector.load %arg4[%get3A_890, %get3A_891] : memref<8192x1xf32, #tpu.memory_space<vmem>>, vector<256x1xf32>
    %dot_general3A_893 = arith.constant dense<0.000000e+00> : vector<256x1024xf32>
    %dot_general3A_894 = tpu.matmul %get3A_889, %convert_element_type3A, %dot_general3A_893 {dimension_numbers = #tpu.dot_dimension_numbers<[1], [0], [0], [1], [0, 0, 1, 1], [], []>, transpose_lhs_hint = false} : vector<256x32xf32>, vector<32x1024xbf16>, vector<256x1024xf32> -> vector<256x1024xf32>
    %add3A_895 = vector.broadcast %get3A_8 : vector<1x1024xf32> to vector<256x1024xf32>
    %add3A_896 = vector.broadcast %get3A_892 : vector<256x1xf32> to vector<256x1024xf32>
    %add3A_897 = arith.addf %add3A_895, %add3A_896 : vector<256x1024xf32>
    %sub3A_898 = arith.subf %add3A_897, %dot_general3A_894 : vector<256x1024xf32>
    %reduce_min3A_899 = arith.constant dense<0x7F800000> : vector<1024xf32>
    %reduce_min3A_900 = vector.multi_reduction <minimumf>, %sub3A_898, %reduce_min3A_899 [0] : vector<256x1024xf32> to vector<1024xf32>
    %broadcast_in_dim3A_901 = vector.shape_cast %reduce_min3A_900 : vector<1024xf32> to vector<1x1024xf32>
    %eq3A_902 = vector.broadcast %broadcast_in_dim3A_901 : vector<1x1024xf32> to vector<256x1024xf32>
    %eq3A_903 = arith.cmpf oeq, %sub3A_898, %eq3A_902 : vector<256x1024xf32>
    %add3A_904 = arith.constant 7680 : i32
    %add3A_905 = vector.broadcast %add3A_904 : i32 to vector<256x1024xi32>
    %add3A_906 = arith.addi %iota3A, %add3A_905 : vector<256x1024xi32>
    %jit3A_907 = arith.constant 2147483647 : i32
    %broadcast_in_dim3A_908 = vector.broadcast %jit3A_907 : i32 to vector<256x1024xi32>
    %select_n3A_909 = arith.select %eq3A_903, %add3A_906, %broadcast_in_dim3A_908 : vector<256x1024xi1>, vector<256x1024xi32>
    %reduce_min3A_910 = arith.constant dense<2147483647> : vector<1024xi32>
    %reduce_min3A_911 = vector.multi_reduction <minsi>, %select_n3A_909, %reduce_min3A_910 [0] : vector<256x1024xi32> to vector<1024xi32>
    %broadcast_in_dim3A_912 = vector.shape_cast %reduce_min3A_911 : vector<1024xi32> to vector<1x1024xi32>
    %lt3A_913 = arith.cmpf olt, %broadcast_in_dim3A_901, %select_n3A_885 : vector<1x1024xf32>
    %select_n3A_914 = arith.select %lt3A_913, %broadcast_in_dim3A_901, %select_n3A_885 : vector<1x1024xi1>, vector<1x1024xf32>
    %select_n3A_915 = arith.select %lt3A_913, %broadcast_in_dim3A_912, %select_n3A_886 : vector<1x1024xi1>, vector<1x1024xi32>
    %get3A_916 = arith.constant 7936 : index
    %get3A_917 = arith.constant 0 : index
    %get3A_918 = vector.load %arg3[%get3A_916, %get3A_917] : memref<8192x32xf32, #tpu.memory_space<vmem>>, vector<256x32xf32>
    %get3A_919 = arith.constant 7936 : index
    %get3A_920 = arith.constant 0 : index
    %get3A_921 = vector.load %arg4[%get3A_919, %get3A_920] : memref<8192x1xf32, #tpu.memory_space<vmem>>, vector<256x1xf32>
    %dot_general3A_922 = arith.constant dense<0.000000e+00> : vector<256x1024xf32>
    %dot_general3A_923 = tpu.matmul %get3A_918, %convert_element_type3A, %dot_general3A_922 {dimension_numbers = #tpu.dot_dimension_numbers<[1], [0], [0], [1], [0, 0, 1, 1], [], []>, transpose_lhs_hint = false} : vector<256x32xf32>, vector<32x1024xbf16>, vector<256x1024xf32> -> vector<256x1024xf32>
    %add3A_924 = vector.broadcast %get3A_8 : vector<1x1024xf32> to vector<256x1024xf32>
    %add3A_925 = vector.broadcast %get3A_921 : vector<256x1xf32> to vector<256x1024xf32>
    %add3A_926 = arith.addf %add3A_924, %add3A_925 : vector<256x1024xf32>
    %sub3A_927 = arith.subf %add3A_926, %dot_general3A_923 : vector<256x1024xf32>
    %reduce_min3A_928 = arith.constant dense<0x7F800000> : vector<1024xf32>
    %reduce_min3A_929 = vector.multi_reduction <minimumf>, %sub3A_927, %reduce_min3A_928 [0] : vector<256x1024xf32> to vector<1024xf32>
    %broadcast_in_dim3A_930 = vector.shape_cast %reduce_min3A_929 : vector<1024xf32> to vector<1x1024xf32>
    %eq3A_931 = vector.broadcast %broadcast_in_dim3A_930 : vector<1x1024xf32> to vector<256x1024xf32>
    %eq3A_932 = arith.cmpf oeq, %sub3A_927, %eq3A_931 : vector<256x1024xf32>
    %add3A_933 = arith.constant 7936 : i32
    %add3A_934 = vector.broadcast %add3A_933 : i32 to vector<256x1024xi32>
    %add3A_935 = arith.addi %iota3A, %add3A_934 : vector<256x1024xi32>
    %jit3A_936 = arith.constant 2147483647 : i32
    %broadcast_in_dim3A_937 = vector.broadcast %jit3A_936 : i32 to vector<256x1024xi32>
    %select_n3A_938 = arith.select %eq3A_932, %add3A_935, %broadcast_in_dim3A_937 : vector<256x1024xi1>, vector<256x1024xi32>
    %reduce_min3A_939 = arith.constant dense<2147483647> : vector<1024xi32>
    %reduce_min3A_940 = vector.multi_reduction <minsi>, %select_n3A_938, %reduce_min3A_939 [0] : vector<256x1024xi32> to vector<1024xi32>
    %broadcast_in_dim3A_941 = vector.shape_cast %reduce_min3A_940 : vector<1024xi32> to vector<1x1024xi32>
    %lt3A_942 = arith.cmpf olt, %broadcast_in_dim3A_930, %select_n3A_914 : vector<1x1024xf32>
    %select_n3A_943 = arith.select %lt3A_942, %broadcast_in_dim3A_930, %select_n3A_914 : vector<1x1024xi1>, vector<1x1024xf32>
    %select_n3A_944 = arith.select %lt3A_942, %broadcast_in_dim3A_941, %select_n3A_915 : vector<1x1024xi1>, vector<1x1024xi32>
    %lt3A_945 = arith.cmpf olt, %select_n3A_943, %select_n3A_714 : vector<1x1024xf32>
    %eq3A_946 = arith.cmpf oeq, %select_n3A_943, %select_n3A_714 : vector<1x1024xf32>
    %lt3A_947 = arith.cmpi slt, %select_n3A_944, %select_n3A_715 : vector<1x1024xi32>
    %and3A_948 = arith.andi %eq3A_946, %lt3A_947 : vector<1x1024xi1>
    %or3A_949 = arith.ori %lt3A_945, %and3A_948 : vector<1x1024xi1>
    %select_n3A_950 = arith.select %or3A_949, %select_n3A_944, %select_n3A_715 : vector<1x1024xi1>, vector<1x1024xi32>
    %swap3A = arith.constant 0 : index
    %swap3A_951 = arith.constant 0 : index
    %swap3A_952 = arith.constant 0 : index
    %swap3A_953 = vector.load %arg5[%swap3A, %swap3A_951, %swap3A_952] : memref<1x1x1024xi32, #tpu.memory_space<vmem>>, vector<1x1x1024xi32>
    %swap3A_954 = vector.shape_cast %swap3A_953 : vector<1x1x1024xi32> to vector<1x1024xi32>
    %swap3A_955 = vector.shape_cast %select_n3A_950 : vector<1x1024xi32> to vector<1x1x1024xi32>
    tpu.vector_store %arg5[%swap3A, %swap3A_951, %swap3A_952], %swap3A_955 {strides = array<i32>} : memref<1x1x1024xi32, #tpu.memory_space<vmem>>, vector<1x1x1024xi32>,
    %shift_right_arithmetic3A = arith.constant 2 : i32
    %shift_right_arithmetic3A_956 = vector.broadcast %shift_right_arithmetic3A : i32 to vector<1x1024xi32>
    %shift_right_arithmetic3A_957 = arith.shrsi %select_n3A_950, %shift_right_arithmetic3A_956 : vector<1x1024xi32>
    %swap3A_958 = arith.constant 0 : index
    %swap3A_959 = arith.constant 0 : index
    %swap3A_960 = arith.constant 0 : index
    %swap3A_961 = vector.load %arg6[%swap3A_958, %swap3A_959, %swap3A_960] : memref<1x1x1024xi32, #tpu.memory_space<vmem>>, vector<1x1x1024xi32>
    %swap3A_962 = vector.shape_cast %swap3A_961 : vector<1x1x1024xi32> to vector<1x1024xi32>
    %swap3A_963 = vector.shape_cast %shift_right_arithmetic3A_957 : vector<1x1024xi32> to vector<1x1x1024xi32>
    tpu.vector_store %arg6[%swap3A_958, %swap3A_959, %swap3A_960], %swap3A_963 {strides = array<i32>} : memref<1x1x1024xi32, #tpu.memory_space<vmem>>, vector<1x1x1024xi32>,
    return
  }
  func.func @transform_0(%arg0: i32) -> (i32, i32, i32) {
    %c0_i32 = arith.constant 0 : i32
    %c0_i32_0 = arith.constant 0 : i32
    %c0_i32_1 = arith.constant 0 : i32
    return %arg0, %c0_i32, %c0_i32_0 : i32, i32, i32
  }
  func.func @transform_1(%arg0: i32) -> (i32, i32, i32) {
    %c0_i32 = arith.constant 0 : i32
    %c0_i32_0 = arith.constant 0 : i32
    %c0_i32_1 = arith.constant 0 : i32
    return %arg0, %c0_i32, %c0_i32_0 : i32, i32, i32
  }
  func.func @transform_2(%arg0: i32) -> (i32, i32) {
    %c0_i32 = arith.constant 0 : i32
    %c0_i32_0 = arith.constant 0 : i32
    %c0_i32_1 = arith.constant 0 : i32
    return %c0_i32, %c0_i32_0 : i32, i32
  }
  func.func @transform_3(%arg0: i32) -> (i32, i32) {
    %c0_i32 = arith.constant 0 : i32
    %c0_i32_0 = arith.constant 0 : i32
    %c0_i32_1 = arith.constant 0 : i32
    return %c0_i32, %c0_i32_0 : i32, i32
  }
  func.func @transform_4(%arg0: i32) -> (i32, i32, i32) {
    %c0_i32 = arith.constant 0 : i32
    %c0_i32_0 = arith.constant 0 : i32
    %c0_i32_1 = arith.constant 0 : i32
    return %arg0, %c0_i32, %c0_i32_0 : i32, i32, i32
  }
  func.func @transform_5(%arg0: i32) -> (i32, i32, i32) {
    %c0_i32 = arith.constant 0 : i32
    %c0_i32_0 = arith.constant 0 : i32
    %c0_i32_1 = arith.constant 0 : i32
    return %arg0, %c0_i32, %c0_i32_0 : i32, i32, i32
  }
}

module attributes {stable_mosaic.version = 14 : i64} {
  func.func @_finish_body(%arg0: i32, %arg1: memref<1x32x1024xf32, #tpu.memory_space<vmem>>, %arg2: memref<1024x128xf32, #tpu.memory_space<vmem>>, %arg3: memref<1x1x1024xi32, #tpu.memory_space<vmem>>, %arg4: memref<1x32x1024xf32, #tpu.memory_space<vmem>>, %arg5: memref<1x1x1xf32, #tpu.memory_space<vmem>>) attributes {dimension_semantics = [#tpu.dimension_semantics<arbitrary>], iteration_bounds = array<i64: 8>, scalar_prefetch = 0 : i64, scratch_operands = 0 : i64, tpu.core_type = #tpu.core_type<tc>, window_params = [{transform_indices = @transform_0, window_bounds = array<i64: 1, 32, 1024>}, {transform_indices = @transform_1, window_bounds = array<i64: 1024, 128>}, {transform_indices = @transform_2, window_bounds = array<i64: 1, 1, 1024>}, {transform_indices = @transform_3, window_bounds = array<i64: 1, 32, 1024>}, {transform_indices = @transform_4, window_bounds = array<i64: 1, 1, 1>}]} {
    %get3A = arith.constant 0 : index
    %get3A_0 = arith.constant 0 : index
    %get3A_1 = arith.constant 0 : index
    %get3A_2 = vector.load %arg1[%get3A, %get3A_0, %get3A_1] : memref<1x32x1024xf32, #tpu.memory_space<vmem>>, vector<1x32x1024xf32>
    %get3A_3 = vector.shape_cast %get3A_2 : vector<1x32x1024xf32> to vector<32x1024xf32>
    %get3A_4 = arith.constant 0 : index
    %get3A_5 = arith.constant 0 : index
    %get3A_6 = vector.load %arg2[%get3A_4, %get3A_5] : memref<1024x128xf32, #tpu.memory_space<vmem>>, vector<1024x128xf32>
    %transpose3A = tpu.transpose %get3A_6, [1, 0] : vector<1024x128xf32> -> vector<128x1024xf32>
    %get3A_7 = arith.constant 0 : index
    %get3A_8 = arith.constant 0 : index
    %get3A_9 = arith.constant 0 : index
    %get3A_10 = vector.load %arg3[%get3A_7, %get3A_8, %get3A_9] : memref<1x1x1024xi32, #tpu.memory_space<vmem>>, vector<1x1x1024xi32>
    %get3A_11 = vector.shape_cast %get3A_10 : vector<1x1x1024xi32> to vector<1x1024xi32>
    %and3A = arith.constant 3 : i32
    %and3A_12 = vector.broadcast %and3A : i32 to vector<1x1024xi32>
    %and3A_13 = arith.andi %get3A_11, %and3A_12 : vector<1x1024xi32>
    %slice3A = vector.extract_strided_slice %transpose3A {offsets = [0, 0], sizes = [32, 1024], strides = [1, 1]} : vector<128x1024xf32> to vector<32x1024xf32>
    %eq3A = arith.constant 1 : i32
    %eq3A_14 = vector.broadcast %eq3A : i32 to vector<1x1024xi32>
    %eq3A_15 = arith.cmpi eq, %and3A_13, %eq3A_14 : vector<1x1024xi32>
    %slice3A_16 = vector.extract_strided_slice %transpose3A {offsets = [32, 0], sizes = [32, 1024], strides = [1, 1]} : vector<128x1024xf32> to vector<32x1024xf32>
    %broadcast_in_dim3A = vector.shape_cast %eq3A_15 : vector<1x1024xi1> to vector<1x1024xi1>
    %broadcast_in_dim3A_17 = vector.broadcast %broadcast_in_dim3A : vector<1x1024xi1> to vector<32x1024xi1>
    %select_n3A = arith.select %broadcast_in_dim3A_17, %slice3A_16, %slice3A : vector<32x1024xi1>, vector<32x1024xf32>
    %eq3A_18 = arith.constant 2 : i32
    %eq3A_19 = vector.broadcast %eq3A_18 : i32 to vector<1x1024xi32>
    %eq3A_20 = arith.cmpi eq, %and3A_13, %eq3A_19 : vector<1x1024xi32>
    %slice3A_21 = vector.extract_strided_slice %transpose3A {offsets = [64, 0], sizes = [32, 1024], strides = [1, 1]} : vector<128x1024xf32> to vector<32x1024xf32>
    %broadcast_in_dim3A_22 = vector.shape_cast %eq3A_20 : vector<1x1024xi1> to vector<1x1024xi1>
    %broadcast_in_dim3A_23 = vector.broadcast %broadcast_in_dim3A_22 : vector<1x1024xi1> to vector<32x1024xi1>
    %select_n3A_24 = arith.select %broadcast_in_dim3A_23, %slice3A_21, %select_n3A : vector<32x1024xi1>, vector<32x1024xf32>
    %eq3A_25 = arith.constant 3 : i32
    %eq3A_26 = vector.broadcast %eq3A_25 : i32 to vector<1x1024xi32>
    %eq3A_27 = arith.cmpi eq, %and3A_13, %eq3A_26 : vector<1x1024xi32>
    %slice3A_28 = vector.extract_strided_slice %transpose3A {offsets = [96, 0], sizes = [32, 1024], strides = [1, 1]} : vector<128x1024xf32> to vector<32x1024xf32>
    %broadcast_in_dim3A_29 = vector.shape_cast %eq3A_27 : vector<1x1024xi1> to vector<1x1024xi1>
    %broadcast_in_dim3A_30 = vector.broadcast %broadcast_in_dim3A_29 : vector<1x1024xi1> to vector<32x1024xi1>
    %select_n3A_31 = arith.select %broadcast_in_dim3A_30, %slice3A_28, %select_n3A_24 : vector<32x1024xi1>, vector<32x1024xf32>
    %sub3A = arith.subf %select_n3A_31, %get3A_3 : vector<32x1024xf32>
    %add3A = arith.addf %get3A_3, %sub3A : vector<32x1024xf32>
    %swap3A = arith.constant 0 : index
    %swap3A_32 = arith.constant 0 : index
    %swap3A_33 = arith.constant 0 : index
    %swap3A_34 = vector.load %arg4[%swap3A, %swap3A_32, %swap3A_33] : memref<1x32x1024xf32, #tpu.memory_space<vmem>>, vector<1x32x1024xf32>
    %swap3A_35 = vector.shape_cast %swap3A_34 : vector<1x32x1024xf32> to vector<32x1024xf32>
    %swap3A_36 = vector.shape_cast %add3A : vector<32x1024xf32> to vector<1x32x1024xf32>
    tpu.vector_store %arg4[%swap3A, %swap3A_32, %swap3A_33], %swap3A_36 {strides = array<i32>} : memref<1x32x1024xf32, #tpu.memory_space<vmem>>, vector<1x32x1024xf32>,
    %sub3A_37 = arith.subf %get3A_3, %select_n3A_31 : vector<32x1024xf32>
    %mul3A = arith.mulf %sub3A_37, %sub3A_37 : vector<32x1024xf32>
    %reduce_sum3A = vector.shape_cast %mul3A : vector<32x1024xf32> to vector<1x32x1024xf32>
    %reduce_sum3A_38 = arith.constant dense<0.000000e+00> : vector<1xf32>
    %reduce_sum3A_39 = vector.multi_reduction <add>, %reduce_sum3A, %reduce_sum3A_38 [1, 2] : vector<1x32x1024xf32> to vector<1xf32>
    %reduce_sum3A_40 = vector.shape_cast %reduce_sum3A_39 : vector<1xf32> to vector<1x1x1xf32>
    %reduce_sum3A_41 = vector.extract %reduce_sum3A_40[0, 0, 0] : f32 from vector<1x1x1xf32>
    %reshape3A = vector.broadcast %reduce_sum3A_41 : f32 to vector<1x1x1xf32>
    %swap3A_42 = arith.constant 0 : index
    %swap3A_43 = arith.constant 0 : index
    %swap3A_44 = arith.constant 0 : index
    %swap3A_45 = vector.load %arg5[%swap3A_42, %swap3A_43, %swap3A_44] : memref<1x1x1xf32, #tpu.memory_space<vmem>>, vector<1x1x1xf32>
    tpu.vector_store %arg5[%swap3A_42, %swap3A_43, %swap3A_44], %reshape3A {strides = array<i32>} : memref<1x1x1xf32, #tpu.memory_space<vmem>>, vector<1x1x1xf32>,
    return
  }
  func.func @transform_0(%arg0: i32) -> (i32, i32, i32) {
    %c0_i32 = arith.constant 0 : i32
    %c0_i32_0 = arith.constant 0 : i32
    %c0_i32_1 = arith.constant 0 : i32
    return %arg0, %c0_i32, %c0_i32_0 : i32, i32, i32
  }
  func.func @transform_1(%arg0: i32) -> (i32, i32) {
    %c0_i32 = arith.constant 0 : i32
    %c0_i32_0 = arith.constant 0 : i32
    return %arg0, %c0_i32 : i32, i32
  }
  func.func @transform_2(%arg0: i32) -> (i32, i32, i32) {
    %c0_i32 = arith.constant 0 : i32
    %c0_i32_0 = arith.constant 0 : i32
    %c0_i32_1 = arith.constant 0 : i32
    return %arg0, %c0_i32, %c0_i32_0 : i32, i32, i32
  }
  func.func @transform_3(%arg0: i32) -> (i32, i32, i32) {
    %c0_i32 = arith.constant 0 : i32
    %c0_i32_0 = arith.constant 0 : i32
    %c0_i32_1 = arith.constant 0 : i32
    return %arg0, %c0_i32, %c0_i32_0 : i32, i32, i32
  }
  func.func @transform_4(%arg0: i32) -> (i32, i32, i32) {
    %c0_i32 = arith.constant 0 : i32
    %c0_i32_0 = arith.constant 0 : i32
    %c0_i32_1 = arith.constant 0 : i32
    return %arg0, %c0_i32, %c0_i32_0 : i32, i32, i32
  }
}

</mosaic_0001>

<sc_bundles>
// kernel: kernel.5.cloned.1.call-start
scs
__scs_entry_jumppad:
0x0: {  	(pc) =	sbr.rel $0x88, $3  }
0x1: {  	(tag) =	ssettag $0x0;
	lr =	simm.s32 $0x1  }
0x2: {  	[smem:$0x3F9F] =	sst lr;
	_ =	strace $0xD0000000  }
0x3: {  	_ = 	snop  }
0x4: {  	_ = 	snop  }
0x5: {  	_ = 	snop  }
0x6: {  	_ = 	snop  }
0x7: {  	_ = 	snop  }
__scs_overlays_trampoline_lowered:
0x8: {  	[smem:$0x3FAE] =	sst s0  }
0x9: {  	[smem:$0x3FAF] =	sst s1  }
0xa: {  	[smem:$0x3FB0] =	sst s2  }
0xb: {  	[smem:$0x3FB1] =	sst s3  }
0xc: {  	[smem:$0x3FB2] =	sst s4  }
0xd: {  	[smem:$0x3FB3] =	sst s5  }
0xe: {  	[smem:$0x3FB4] =	sst s6  }
0xf: {  	[smem:$0x3FB5] =	sst s7  }
0x10: {  	[smem:$0x3FB6] =	sst s8  }
0x11: {  	[smem:$0x3FB7] =	sst s9;
	s0 =	simm.s32 @!p0 $0x0  }
0x12: {  	s1 =	sld [smem:$0x3F9D];
	s0 =	simm.s32 @p0 $0x1  }
0x13: {  	[smem:$0x3FB8] =	sst s0;
	s0 =	simm.s32 @!p1 $0x0  }
0x14: {  	s2 =	sld [smem:$0x3F9C];
	s0 =	simm.s32 @p1 $0x1  }
0x15: {  	[smem:$0x3FB9] =	sst s0;
	s0 =	simm.s32 @!p2 $0x0  }
0x16: {  	s3 =	sld [smem:$0x3FDB];
	s0 =	simm.s32 @p2 $0x1  }
0x17: {  	s4 =	simm.s32 $0x1BF5;
	[smem:$0x3FBB] =	sst s0  }
0x18: {  	s0 =	sld [smem:$0x3F9E];
	_ =	swait.ge [sflag:s4], $0x0  }
0x19: {  	s7 =	sld [smem:$0x3F9F]  }
0x1a: {  	s8 =	sadd.s32 $0xFFFFE003, lr  }
0x1b: {  	s9 =	sadd.s32 $0xFFFFFEF7, lr;
	s5 =	simm.s32 $0xFFFFFFFF;
	p2 =	slt.u32 s8, $0xFFFFF086  }
0x1c: {  	p1 =	slt.u32 s9, $0xF7A;
	s5 =	simm.s32 @!p2 $0x0  }
0x1d: {  	s5 =	simm.s32 @p1 $0x1;
	p0 =	seq.s32 s7, s2  }
0x1e: {  	s7 =	smul.u32 @!p0 $0xF7A, s2;
	p2 =	seq.s32 @!p0 s5, $0x0  }
0x1f: {  	s9 =	smul.u32 $0xF7A, s1;
	s8 =	simm.s32 @!p0 $0x1BF5;
	p2 =	por !p2, p0  }
0x20: {  	[sflag:s8] =	ssyncset.s32 @!p0 $0xFFFFF086;
	s6 =	sadd.s32 @!p0 s3, s7;
	s7 =	simm.s32 @!p0 $0x108  }
0x21: {  	s3 =	sadd.s32 s3, s9;
	s6 =	sadd.s32 @!p0 $0x88, s6;
	s7 =	simm.s32 @p2 $0x1082  }
0x22: {  	[simem:s7], [sflag:s8] =	dma.local @!p0 [hbm:s6], $0xF7A  }
0x23: {  	s9 =	sor.u32 $0xD0000000, s2;
	s6 =	simm.s32 $0x108;
	_ =	swait.ge @!p0 [sflag:s8], $0x0  }
0x24: {  	s3 =	sadd.s32 $0x88, s3;
	s6 =	simm.s32 @!p1 $0x1082;
	[sflag:s4] =	ssyncset.s32 $0xFFFFF086  }
0x25: {  	[simem:s6], [sflag:s4] =	dma.local [hbm:s3], $0xF7A  }
0x26: {  	[smem:$0x3F9F] =	sst s1;
	(tag) =	ssettag s2;
	_ =	strace s9  }
0x27: {  	s1 =	sld [smem:$0x3FAF]  }
0x28: {  	s2 =	sld [smem:$0x3FB0]  }
0x29: {  	s4 =	sld [smem:$0x3FB2]  }
0x2a: {  	p0 =	seq.s32 s5, $0x0;
	s5 =	sld [smem:$0x3FB3]  }
0x2b: {  	s6 =	sld [smem:$0x3FB4]  }
0x2c: {  	s7 =	sld [smem:$0x3FB5]  }
0x2d: {  	s3 =	simm.s32 $0x108;
	s8 =	sld [smem:$0x3FB6]  }
0x2e: {  	s3 =	simm.s32 @!p0 $0x1082;
	s9 =	sld [smem:$0x3FB7]  }
0x2f: {  	lr =	sadd.s32 s0, s3;
	s0 =	sld [smem:$0x3FAE]  }
0x30: {  	s3 =	sld [smem:$0x3FB1]  }
0x31: {  	[smem:$0x3FBA] =	sst s10  }
0x32: {  	s10 =	sld [smem:$0x3FB8];
	_ =	sdelay $0x3  }
0x33: {  	p0 =	seq.s32 s10, $0x1;
	s10 =	sld [smem:$0x3FBA];
	_ =	sdelay $0x3  }
0x34: {  	[smem:$0x3FBA] =	sst s10  }
0x35: {  	s10 =	sld [smem:$0x3FB9];
	_ =	sdelay $0x3  }
0x36: {  	p1 =	seq.s32 s10, $0x1;
	s10 =	sld [smem:$0x3FBA];
	_ =	sdelay $0x3  }
0x37: {  	[smem:$0x3FBA] =	sst s10  }
0x38: {  	s10 =	sld [smem:$0x3FBB]  }
0x39: {  	_ = 	snop;
	(pc) =	sbr.ind lr, $3  }
0x3a: {  	_ = 	snop  }
0x3b: {  	_ = 	snop  }
0x3c: {  	p2 =	seq.s32 s10, $0x1;
	s10 =	sld [smem:$0x3FBA]  }
0x3d: {  	_ =	shalt  }
0x3e: {  	_ =	shalt  }
0x3f: {  	_ =	shalt  }
0x40: {  	_ =	shalt  }
0x41: {  	_ =	shalt  }
0x42: {  	_ =	shalt  }
0x43: {  	_ =	shalt  }
0x44: {  	_ =	shalt  }
0x45: {  	_ =	shalt  }
0x46: {  	_ =	shalt  }
0x47: {  	_ =	shalt  }
0x48: {  	_ =	shalt  }
0x49: {  	_ =	shalt  }
0x4a: {  	_ =	shalt  }
0x4b: {  	_ =	shalt  }
0x4c: {  	_ =	shalt  }
0x4d: {  	_ =	shalt  }
0x4e: {  	_ =	shalt  }
0x4f: {  	_ =	shalt  }
0x50: {  	_ =	shalt  }
0x51: {  	_ =	shalt  }
0x52: {  	_ =	shalt  }
0x53: {  	_ =	shalt  }
0x54: {  	_ =	shalt  }
0x55: {  	_ =	shalt  }
0x56: {  	_ =	shalt  }
0x57: {  	_ =	shalt  }
0x58: {  	_ =	shalt  }
0x59: {  	_ =	shalt  }
0x5a: {  	_ =	shalt  }
0x5b: {  	_ =	shalt  }
0x5c: {  	_ =	shalt  }
0x5d: {  	_ =	shalt  }
0x5e: {  	_ =	shalt  }
0x5f: {  	_ =	shalt  }
0x60: {  	_ =	shalt  }
0x61: {  	_ =	shalt  }
0x62: {  	_ =	shalt  }
0x63: {  	_ =	shalt  }
0x64: {  	_ =	shalt  }
0x65: {  	_ =	shalt  }
0x66: {  	_ =	shalt  }
0x67: {  	_ =	shalt  }
0x68: {  	_ =	shalt  }
0x69: {  	_ =	shalt  }
0x6a: {  	_ =	shalt  }
0x6b: {  	_ =	shalt  }
0x6c: {  	_ =	shalt  }
0x6d: {  	_ =	shalt  }
0x6e: {  	_ =	shalt  }
0x6f: {  	_ =	shalt  }
0x70: {  	_ =	shalt  }
0x71: {  	_ =	shalt  }
0x72: {  	_ =	shalt  }
0x73: {  	_ =	shalt  }
0x74: {  	_ =	shalt  }
0x75: {  	_ =	shalt  }
0x76: {  	_ =	shalt  }
0x77: {  	_ =	shalt  }
0x78: {  	_ =	shalt  }
0x79: {  	_ =	shalt  }
0x7a: {  	_ =	shalt  }
0x7b: {  	_ =	shalt  }
0x7c: {  	_ =	shalt  }
0x7d: {  	_ =	shalt  }
0x7e: {  	_ =	shalt  }
0x7f: {  	_ =	shalt  }
0x80: {  	_ =	shalt  }
0x81: {  	_ =	shalt  }
0x82: {  	_ =	shalt  }
0x83: {  	_ =	shalt  }
0x84: {  	_ =	shalt  }
0x85: {  	_ =	shalt  }
0x86: {  	_ =	shalt  }
0x87: {  	_ =	shalt  }
.Lfunc_end0:
.L_simem_size_0:
called_computation_lowered:
.L_overlay_start_0:
0x88: {  	s2 =	sld [smem:$0x3FD9]  }
0x89: {  	s3 =	sld [smem:$0x3FFE];
	_ =	sdelay $0x1  }
0x8a: {  	s1 =	srdreg.scid  }
0x8b: {  	s0 =	sand.u32 $0x1, s1  }
0x8c: {  	s14 =	sshll.u32 s0, $0xA;
	s2 =	sadd.s32 s3, s2  }
0x8d: {  	s2 =	sadd.s32 s2, s14  }
0x8e: {  	[smem:$0x3FC6] =	sst s2  }
0x8f: {  	_ = 	snop  }
0x90: {  	s2 =	sld [smem:$0x3FD0];
	_ =	sdelay $0x2  }
0x91: {  	s15 =	simm.s32 $0xA;
	s4 =	simm.s32 $0x10  }
0x92: {  	[smem:s4], [sflag:s15] =	dma.local [hbm:s2], $0x1  }
0x93: {  	_ =	swait.eq [sflag:s15], $0x1  }
0x94: {  	[sflag:s15] =	ssyncset.done $0x0  }
0x95: {  	[sflag:s15] =	ssyncadd.s32 $0xFFFFFFFF  }
0x96: {  	s16 =	sld [smem:$0x10];
	(tm) =	ssettm $0x1  }
0x97: {  	s17 =	sld [smem:$0x3FFB];
	_ =	sdelay $0x3  }
0x98: {  	_ =	strace s17  }
0x99: {  	s3 =	sld [smem:$0x3FFC];
	_ =	sdelay $0x3  }
0x9a: {  	_ =	strace s3  }
0x9b: {  	s3 =	sld [smem:$0x3FFD];
	_ =	sdelay $0x3  }
0x9c: {  	_ =	strace s3  }
0x9d: {  	_ =	strace $0x8FFFFFFF  }
0x9e: {  	s18 =	sld [smem:$0x3FDB];
	_ =	sdelay $0x1  }
0x9f: {  	s19 =	simm.s32 $_scs_section_size  }
0xa0: {  	s5 =	simm.s32 $_size__tile_overlayer_lowered;
	s6 =	simm.s32 $_tile_overlayer_lowered  }
0xa1: {  	s22 =	simm.s32 $0x1BFF;
	s21 =	sshll.u32 s6, $0x1;
	s3 =	sadd.s32 s19, s18  }
0xa2: {  	s7 =	simm.s32 $0x0;
	s20 =	sshll.u32 s5, $0x1;
	s5 =	sadd.s32 s21, s3  }
0xa3: {  	[timem:s7], [sflag:s22] =	dma.local [hbm:s5], s20  }
0xa4: {  	_ =	swait.ge [sflag:s22], s20  }
0xa5: {  	s4 =	ssub.s32 $0x0, s20;
	[sflag:s22] =	ssyncset.done $0x0  }
0xa6: {  	[sflag:s22] =	ssyncadd.s32 s4;
	_ =	sdelay $0x1  }
0xa7: {  	s23 =	simm.s32 $0x1B8B  }
0xa8: {  	_ =	swait.ge [sflag:s23], $0x1  }
0xa9: {  	[sflag:s23] =	ssyncset.done $0x0  }
0xaa: {  	s25 =	simm.s32 $0x1B8E;
	s24 =	sld [smem:$0x3FFE];
	[sflag:s23] =	ssyncadd.s32 $0xFFFFFFFF  }
0xab: {  	s26 =	simm.s32 $execute0_lowered;
	[smem:$0x3FD2] =	sst s25  }
0xac: {  	s5 =	sshll.u32 s26, $0x1;
	_ =	strace $0x80000046;
	[dreg:$0x1] =	wrdreg $0xFFFFFFFF  }
0xad: {  	s28 =	simm.s32 $_size_execute0_lowered;
	s3 =	sadd.s32 s3, s5;
	[dreg:$0x0] =	wrdreg $0x0  }
0xae: {  	s5 =	sshll.u32 s28, $0x1;
	[dreg:$0x2] =	wrdreg s3  }
0xaf: {  	[dreg:$0x3] =	wrdreg s5  }
0xb0: {  	[dreg:$0x4] =	wrdreg $0xC0  }
0xb1: {  	_ =	task [dreg:s7], $0x5FFFF  }
0xb2: {  	[dreg:$0x1] =	wrdreg $0xFFFFFFFF  }
0xb3: {  	[dreg:$0x0] =	wrdreg $0x60  }
0xb4: {  	[dreg:$0x2] =	wrdreg s24  }
0xb5: {  	[dreg:$0x3] =	wrdreg s16  }
0xb6: {  	[dreg:$0x4] =	wrdreg $0x9  }
0xb7: {  	_ =	task.clear_ibuf [dreg:s7], $0x5FFFF;
	_ =	strace $0x90000046  }
0xb8: {  	s29 =	simm.s32 $0x9;
	_ =	strace $0x8000004F  }
0xb9: {  	_ =	swait.ge [sflag:s29], $0x1  }
0xba: {  	[sflag:s29] =	ssyncadd.s32 $0xFFFFFFFF  }
0xbb: {  	_ =	strace $0x9000004F  }
0xbc: {  	_ =	sfence  }
0xbd: {  	s30 =	sld [smem:$0x0];
	_ =	sdelay $0x2  }
0xbe: {  	s31 =	sshll.u32 s1, $0xD;
	s1 =	sshrl.u32 s1, $0x2  }
0xbf: {  	s3 =	sand.u32 $0x4000, s31;
	s1 =	sadd.s32 s1, s30  }
0xc0: {  	s0 =	sor.u32 s3, s0;
	s1 =	sshll.u32 s1, $0x11  }
0xc1: {  	s0 =	sor.u32 s1, s0  }
0xc2: {  	s0 =	sadd.s32 $0x8F2B, s0  }
0xc3: {  	[sflag:s0] =	ssyncadd.remote.s32 $0x1  }
0xc4: {  	_ =	sfence.sel $0xFFFF  }
0xc5: {  	[dreg:$0x0] =	wrdreg $0xFFFFFFFF;
	(pc) =	sbr.abs _section_cstart, $3  }
0xc6: {  	[dreg:$0x1] =	wrdreg $0xFFFFFFFF  }
0xc7: {  	_ =	task.clear_ibuf [dreg:s7], $0x2FFFF;
	_ =	strace $0x9FFFFFFF  }
0xc8: {  	(tm) =	ssettm $0x7FFFFFFF  }
0xc9: {  	_ =	shalt  }
tec
execute0_lowered:
.L_overlay_start_1:
0x0: {  	(tag) =	ssettag $0x1  }
0x1: {  	s0 =	srdreg.scid  }
0x2: {  	s15 =	sand.u32 $0x1, s0  }
0x3: {  	s2 =	rddreg [dreg:$0x0];
	s1 =	stileid.u32;
	s4 =	sshll.u32 s15, $0x4  }
0x4: {  	s10 =	rddreg [dreg:$0x1];
	s3 =	simm.s32 $0x0;
	s11 =	sor.u32 s1, s4  }
0x5: {  	[smem:$0x7FF] =	sst s3;
	s4 =	sshll.u32 s11, $0x5  }
0x6: {  	s0 =	rddreg [dreg:$0x2];
	_ =	strace $0x80000047;
	s5 =	sadd.s32 s4, s2  }
0x7: {  	_ =	strace $0x80000048;
	s4 =	sadd.s32 $0x8000, s5  }
0x8: {  	[tilespmem:s3], [sflag:$0x1] =	stream.linear.gather [hbm4b:s4+s3], $0x80, $0x200038;
	[tilespmem:$0x8100] =	vst v63  }
0x9: {  	_ =	strace $0x90000048  }
0xa: {  	s6 =	simm.s32 $0x80;
	s5 =	sadd.s32 $0x8010, s5;
	_ =	strace $0x80000049  }
0xb: {  	[tilespmem:s6], [sflag:$0x2] =	stream.linear.gather [hbm4b:s5+s3], $0x80, $0x200038;
	[tilespmem:$0x8100] =	vst v63  }
0xc: {  	_ =	strace $0x90000049  }
0xd: {  	s7 =	simm.s32 $0x1;
	_ =	strace $0x8000004A  }
0xe: {  	_ =	swait.ge [sflag:s7], $0x80  }
0xf: {  	[sflag:s7] =	ssyncset.done $0x0  }
0x10: {  	[sflag:s7] =	ssyncadd.s32 $0xFFFFFF80  }
0x11: {  	_ =	strace $0x9000004A  }
0x12: {  	s8 =	simm.s32 $0x100;
	s9 =	simm.s32 $0x5;
	_ =	strace $0x8000004B  }
0x13: {  	[tilespmem:s8], [sflag:$0x5] =	stream.indirect.gather [hbm4b:s2+s6], $0x80, s3, s6, $0x2000b8;
	[tilespmem:$0x8100] =	vst v63  }
0x14: {  	_ =	swait.ge [sflag:s9], $0x4000  }
0x15: {  	[sflag:s9] =	ssyncset.done $0x0  }
0x16: {  	[sflag:s9] =	ssyncadd.s32 $0xFFFFC000  }
0x17: {  	s11 =	sshll.u32 s11, $0xC;
	_ =	strace $0x9000004B  }
0x18: {  	s10 =	sadd.s32 s10, s11;
	_ =	strace $0x8000004C  }
0x19: {  	[hbm4b:s10+s3] =	stream.linear.scatter [tilespmem:s8], [sflag:$0x3], $0x4000, $0x200038;
	[tilespmem:$0x8100] =	vst v63  }
0x1a: {  	_ =	strace $0x9000004C  }
0x1b: {  	s11 =	simm.s32 $0x2;
	_ =	strace $0x8000004A  }
0x1c: {  	_ =	swait.ge [sflag:s11], $0x80  }
0x1d: {  	[sflag:s11] =	ssyncset.done $0x0  }
0x1e: {  	[sflag:s11] =	ssyncadd.s32 $0xFFFFFF80  }
0x1f: {  	_ =	strace $0x9000004A  }
0x20: {  	s12 =	simm.s32 $0x4100;
	_ =	strace $0x8000004B  }
0x21: {  	[tilespmem:s12], [sflag:$0x5] =	stream.indirect.gather [hbm4b:s2+s6], $0x80, s6, s6, $0x2000b8;
	[tilespmem:$0x8100] =	vst v63  }
0x22: {  	_ =	swait.ge [sflag:s9], $0x4000  }
0x23: {  	[sflag:s9] =	ssyncset.done $0x0  }
0x24: {  	[sflag:s9] =	ssyncadd.s32 $0xFFFFC000  }
0x25: {  	_ =	strace $0x9000004B  }
0x26: {  	s13 =	sadd.s32 $0x800, s10;
	_ =	strace $0x8000004C  }
0x27: {  	[hbm4b:s13+s3] =	stream.linear.scatter [tilespmem:s12], [sflag:$0x4], $0x4000, $0x200038;
	[tilespmem:$0x8100] =	vst v63  }
0x28: {  	s15 =	ssub.s32 $0x2, s15;
	_ =	strace $0x9000004C  }
0x29: {  	s14 =	simm.s32 $0x3;
	s16 =	sshrl.u32 s15, $0x1;
	_ =	strace $0x8000004D  }
0x2a: {  	s16 =	ssub.s32 s15, s16;
	_ =	swait.ge [sflag:s14], $0x4000  }
0x2b: {  	s16 =	smax.u32 s16, $0x1;
	[sflag:s14] =	ssyncset.done $0x0  }
0x2c: {  	p0 =	sne.s32 s16, $0x1;
	[sflag:s14] =	ssyncadd.s32 $0xFFFFC000  }
.Ltmp0:
0x2d: {  	_ =	strace $0x9000004D;
	(pc) =	sbr.rel @!p0 .LBB2_2-.Ltmp0, $4  }
0x2e: {  	s15 =	simm.s32 $0x4;
	_ =	strace $0x8000004E  }
0x2f: {  	_ =	swait.ge [sflag:s15], $0x4000  }
0x30: {  	[sflag:s15] =	ssyncset.done $0x0  }
0x31: {  	s16 =	sadd.s32 $0xFFFFFFFF, s16;
	[sflag:s15] =	ssyncadd.s32 $0xFFFFC000  }
.LBB2_1:
0x32: {  	p0 =	sne.s32 s16, $0x1;
	s16 =	sadd.s32 $0xFFFFFFFF, s16;
	_ =	strace $0x9000004E  }
0x33: {  	_ =	strace $0x80000048  }
0x34: {  	[tilespmem:s3], [sflag:$0x1] =	stream.linear.gather [hbm4b:s4+s3], $0x80, $0x200038;
	[tilespmem:$0x8100] =	vst v63  }
0x35: {  	_ =	strace $0x90000048  }
0x36: {  	_ =	strace $0x80000049  }
0x37: {  	[tilespmem:s6], [sflag:$0x2] =	stream.linear.gather [hbm4b:s5+s3], $0x80, $0x200038;
	[tilespmem:$0x8100] =	vst v63  }
0x38: {  	_ =	strace $0x90000049  }
0x39: {  	_ =	strace $0x8000004A  }
0x3a: {  	_ =	swait.ge [sflag:s7], $0x80  }
0x3b: {  	[sflag:s7] =	ssyncset.done $0x0  }
0x3c: {  	[sflag:s7] =	ssyncadd.s32 $0xFFFFFF80  }
0x3d: {  	_ =	strace $0x9000004A  }
0x3e: {  	_ =	strace $0x8000004B  }
0x3f: {  	[tilespmem:s8], [sflag:$0x5] =	stream.indirect.gather [hbm4b:s2+s6], $0x80, s3, s6, $0x2000b8;
	[tilespmem:$0x8100] =	vst v63  }
0x40: {  	_ =	swait.ge [sflag:s9], $0x4000  }
0x41: {  	[sflag:s9] =	ssyncset.done $0x0  }
0x42: {  	[sflag:s9] =	ssyncadd.s32 $0xFFFFC000  }
0x43: {  	_ =	strace $0x9000004B  }
0x44: {  	_ =	strace $0x8000004C  }
0x45: {  	[hbm4b:s10+s3] =	stream.linear.scatter [tilespmem:s8], [sflag:$0x3], $0x4000, $0x200038;
	[tilespmem:$0x8100] =	vst v63  }
0x46: {  	_ =	strace $0x9000004C  }
0x47: {  	_ =	strace $0x8000004A  }
0x48: {  	_ =	swait.ge [sflag:s11], $0x80  }
0x49: {  	[sflag:s11] =	ssyncset.done $0x0  }
0x4a: {  	[sflag:s11] =	ssyncadd.s32 $0xFFFFFF80  }
0x4b: {  	_ =	strace $0x9000004A  }
0x4c: {  	_ =	strace $0x8000004B  }
0x4d: {  	[tilespmem:s12], [sflag:$0x5] =	stream.indirect.gather [hbm4b:s2+s6], $0x80, s6, s6, $0x2000b8;
	[tilespmem:$0x8100] =	vst v63  }
0x4e: {  	_ =	swait.ge [sflag:s9], $0x4000  }
0x4f: {  	[sflag:s9] =	ssyncset.done $0x0  }
0x50: {  	[sflag:s9] =	ssyncadd.s32 $0xFFFFC000  }
0x51: {  	_ =	strace $0x9000004B  }
0x52: {  	_ =	strace $0x8000004C  }
0x53: {  	[hbm4b:s13+s3] =	stream.linear.scatter [tilespmem:s12], [sflag:$0x4], $0x4000, $0x200038;
	[tilespmem:$0x8100] =	vst v63  }
0x54: {  	_ =	strace $0x9000004C  }
0x55: {  	_ =	strace $0x8000004D  }
0x56: {  	_ =	swait.ge [sflag:s14], $0x4000  }
0x57: {  	[sflag:s14] =	ssyncset.done $0x0  }
0x58: {  	[sflag:s14] =	ssyncadd.s32 $0xFFFFC000  }
.Ltmp1:
0x59: {  	_ =	strace $0x9000004D;
	(pc) =	sbr.rel @p0 .LBB2_1-.Ltmp1, $4  }
0x5a: {  	_ =	strace $0x8000004E  }
0x5b: {  	_ =	swait.ge [sflag:s15], $0x4000  }
0x5c: {  	[sflag:s15] =	ssyncset.done $0x0  }
0x5d: {  	[sflag:s15] =	ssyncadd.s32 $0xFFFFC000  }
.LBB2_2:
0x5e: {  	_ =	strace $0x9000004E  }
0x5f: {  	_ =	sfence.sel $0x180000  }
0x60: {  	[bflag:$0x0] =	sbarrier.arrive $0xFFFF  }
0x61: {  	p0 =	sne.s32 s1, $0x0;
	_ =	strace $0x90000047  }
0x62: {  	s0 =	sadd.s32 @!p0 $0x100000, s0;
	[bflag:$0x2] =	sbarrier.arrive $0xFFFF  }
0x63: {  	[sflag:s0] =	ssyncadd.tile.s32 @!p0 $0x1;
	_ =	shalt  }
.Lfunc_end2:
_tile_overlayer_lowered:
.L_overlay_start_2:
0x64: {  	(tag) =	ssettag $0x2  }
0x65: {  	s0 =	rddreg [dreg:$0x0];
	s2 =	stileid.u32  }
0x66: {  	s1 =	rddreg [dreg:$0x1];
	p0 =	sne.s32 s2, $0x0  }
0x67: {  	s3 =	rddreg [dreg:$0x2];
	[bflag:$0x3] =	sbarrier.arrive $0xFFFF;
	s2 =	simm.s32 @!p0 $0x1C01  }
0x68: {  	[timem:s3], [sflag:s2] =	dma.local @!p0 [hbm:s0], s1  }
0x69: {  	s0 =	simm.s32 @!p0 $0x1  }
0x6a: {  	_ =	swait.ge @!p0 [sflag:s0], s1  }
0x6b: {  	s1 =	ssub.s32 @!p0 $0x0, s1;
	[sflag:s0] =	ssyncset.done @!p0 $0x0  }
0x6c: {  	[sflag:s0] =	ssyncadd.s32 @!p0 s1  }
0x6d: {  	[bflag:$0x3] =	sbarrier.arrive $0xFFFF  }
0x6e: {  	_ =	shalt  }

</sc_bundles>
